<compile_context>
chip_gen: v7x
topology: tpu7x:2x2x1
jax: 0.10.2.dev20260603
libtpu: 0.0.44.dev20260713+nightly
codegen_flags: <defaults>
</compile_context>

<pallas_src>
import jax
import jax.numpy as jnp
import numpy as np
from jax import lax
from jax.experimental import pallas as pl
from jax.experimental.pallas import tpu as pltpu
from jax.experimental.pallas import tpu_sc as plsc

_B, _L, _D_IN = 4, 2048, 768
_D_KEY, _D_VAL = 128, 768
_N_BITS = 16
_N = _B * _L

_SC_NC = 2
_SC_NS = 16
_SC_NW = _SC_NC * _SC_NS
_PARTS = 2
_PN = _N // _PARTS
_TOK_PER_W = _PN // _SC_NW
_SC_CHUNK = 64
_SC_STEPS = _TOK_PER_W // _SC_CHUNK

_HEAD_TB = 1024
_TAIL_TB = 512


def _pf45_table() -> np.ndarray:
    r = np.arange(45, dtype=np.float64)
    a = 2.0 * np.pi * r
    cols = np.stack([
        np.cos(a), np.cos(a / 3.0), np.cos(a / 9.0),
        np.sin(a), np.sin(a / 3.0), np.sin(a / 9.0),
        (r % 5 == 0).astype(np.float64), (r % 5 == 1).astype(np.float64),
    ], axis=1)
    return np.tanh(cols).astype(np.float32)


def _head_body(h_ref, t_ref, wk_ref, bk_ref, wpk_ref, wpp_ref, bp_ref,
               proj_ref, pf45_ref, keys_ref, idx_ref):
    h = h_ref[...]
    t = t_ref[...]
    k1 = jnp.dot(h, wk_ref[...], preferred_element_type=jnp.float32) + bk_ref[...]
    r45 = t - 45.0 * jnp.floor(t / 45.0)
    oh = (lax.broadcasted_iota(jnp.int32, (_HEAD_TB, 45), 1)
          == r45.astype(jnp.int32)).astype(jnp.float32)
    tbl = jnp.dot(pf45_ref[...], wpp_ref[...],
                  preferred_element_type=jnp.float32)
    keys = (jnp.dot(k1, wpk_ref[...], preferred_element_type=jnp.float32)
            + jnp.dot(oh, tbl, preferred_element_type=jnp.float32)
            + bp_ref[...])
    keys_ref[...] = keys
    logits = jnp.dot(keys, proj_ref[...], preferred_element_type=jnp.float32)
    w = (jnp.int32(1) << jnp.arange(_N_BITS, dtype=jnp.int32))[None, :]
    idx = jnp.sum((logits > 0.0).astype(jnp.int32) * w, axis=1, keepdims=True)
    idx_ref[...] = idx.reshape(_HEAD_TB // 128, 128)


def _tail_body(h_ref, p_ref, keys_ref, ksel_ref, w1a_ref, w1b_ref, w1c_ref,
               b1_ref, w2_ref, b2_ref, gin_ref, bin_ref, gpr_ref, bpr_ref,
               y_ref, asum_ref, csum_ref):
    def ln(x, g, b):
        m = jnp.mean(x, axis=1, keepdims=True)
        v = jnp.mean((x - m) ** 2, axis=1, keepdims=True)
        return (x - m) / jnp.sqrt(v + 1e-5) * g + b

    h = h_ref[...]
    p = p_ref[...]
    lnh = ln(h, gin_ref[...], bin_ref[...])
    lnp = ln(p, gpr_ref[...], bpr_ref[...])
    conf = jax.nn.sigmoid(
        jnp.sum(keys_ref[...] * ksel_ref[...], axis=1, keepdims=True)
        / jnp.sqrt(jnp.float32(_D_KEY)))
    m1 = (jnp.dot(lnh, w1a_ref[...], preferred_element_type=jnp.float32)
          + jnp.dot(lnp, w1b_ref[...], preferred_element_type=jnp.float32)
          + conf * w1c_ref[0:1, :] + b1_ref[...])
    s = m1 * jax.nn.sigmoid(m1)
    pre = jnp.dot(s, w2_ref[...], preferred_element_type=jnp.float32) + b2_ref[...]
    alpha = jnp.clip(jax.nn.sigmoid(pre), 0.0, 1.0)
    y_ref[...] = (1.0 - alpha) * h + alpha * (h + p)

    @pl.when(pl.program_id(0) == 0)
    def _():
        asum_ref[...] = jnp.zeros_like(asum_ref)
        csum_ref[...] = jnp.zeros_like(csum_ref)

    asum_ref[...] += jnp.sum(alpha).reshape(1, 1)
    csum_ref[...] += jnp.sum(conf).reshape(1, 1)


def _tail_body_alias(h_ref, p_ref, keys_ref, ksel_ref, w1a_ref, w1b_ref,
                     w1c_ref, b1_ref, w2_ref, b2_ref, gin_ref, bin_ref,
                     gpr_ref, bpr_ref, y0_ref, y_ref, asum_ref, csum_ref):
    del y0_ref
    _tail_body(h_ref, p_ref, keys_ref, ksel_ref, w1a_ref, w1b_ref, w1c_ref,
               b1_ref, w2_ref, b2_ref, gin_ref, bin_ref, gpr_ref, bpr_ref,
               y_ref, asum_ref, csum_ref)


def _sc_gather_body(idx_hbm, vtab_hbm, ktab_hbm, pred_hbm, ksel_hbm,
                    idx_v, vrows0, vrows1, krows0, krows1,
                    sem_v0, sem_v1, sem_k0, sem_k1, sem_w0, sem_w1):
    wid = lax.axis_index("s") * _SC_NC + lax.axis_index("c")
    base = wid * _TOK_PER_W
    pltpu.sync_copy(
        idx_hbm.at[base // 128, pl.ds(base % 128, _TOK_PER_W)], idx_v)
    vbufs = (vrows0, vrows1)
    kbufs = (krows0, krows1)
    vsems = (sem_v0, sem_v1)
    ksems = (sem_k0, sem_k1)
    wsems = (sem_w0, sem_w1)

    gathers = []
    for c in range(_SC_STEPS):
        sl = idx_v.at[pl.ds(c * _SC_CHUNK, _SC_CHUNK)]
        cv = pltpu.async_copy(vtab_hbm.at[sl], vbufs[c], vsems[c])
        ck = pltpu.async_copy(ktab_hbm.at[sl], kbufs[c], ksems[c])
        gathers.append((cv, ck))
    writes = []
    for c in range(_SC_STEPS):
        cv, ck = gathers[c]
        cv.wait()
        ck.wait()
        off = base + c * _SC_CHUNK
        writes.append(pltpu.async_copy(
            vbufs[c], pred_hbm.at[pl.ds(off, _SC_CHUNK)], wsems[c]))
        writes.append(pltpu.async_copy(
            kbufs[c], ksel_hbm.at[pl.ds(off, _SC_CHUNK)], wsems[c]))
    for w in writes:
        w.wait()


def kernel(h_in, times, Wk, bk, Wp, bp, W1, b1, W2, b2, g_in, b_in, g_pr,
           b_pr, proj, K_mem, V_mem):
    f32 = jnp.float32
    h2 = h_in.reshape(_N, _D_IN)
    tcol = times.reshape(_N, 1).astype(f32)

    n_head = _PN // _HEAD_TB
    rows_per_step = _HEAD_TB // 128
    head_w = (Wk, bk, Wp, Wp, bp, proj, jnp.asarray(_pf45_table()))

    def run_head(part):
        off = part * n_head
        return pl.pallas_call(
            _head_body,
            grid=(n_head,),
            in_specs=[
                pl.BlockSpec((_HEAD_TB, _D_IN), lambda i, o=off: (i + o, 0)),
                pl.BlockSpec((_HEAD_TB, 1), lambda i, o=off: (i + o, 0)),
                pl.BlockSpec((_D_IN, _D_KEY), lambda i: (0, 0)),
                pl.BlockSpec((_D_KEY,), lambda i: (0,)),
                pl.BlockSpec((_D_KEY, _D_KEY), lambda i: (0, 0)),
                pl.BlockSpec((8, _D_KEY), lambda i: (_D_KEY // 8, 0)),
                pl.BlockSpec((_D_KEY,), lambda i: (0,)),
                pl.BlockSpec((_D_KEY, _N_BITS), lambda i: (0, 0)),
                pl.BlockSpec((45, 8), lambda i: (0, 0)),
            ],
            out_specs=[
                pl.BlockSpec((_HEAD_TB, _D_KEY), lambda i: (i, 0)),
                pl.BlockSpec((rows_per_step, 128), lambda i: (i, 0)),
            ],
            out_shape=[
                jax.ShapeDtypeStruct((_PN, _D_KEY), f32),
                jax.ShapeDtypeStruct((_PN // 128, 128), jnp.int32),
            ],
        )(h2, tcol, *head_w)

    mesh = plsc.VectorSubcoreMesh(core_axis_name="c", subcore_axis_name="s")
    gather = pl.kernel(
        _sc_gather_body,
        out_type=(
            jax.ShapeDtypeStruct((_PN, _D_VAL), f32),
            jax.ShapeDtypeStruct((_PN, _D_KEY), f32),
        ),
        mesh=mesh,
        scratch_types=[
            pltpu.VMEM((_TOK_PER_W,), jnp.int32),
            pltpu.VMEM((_SC_CHUNK, _D_VAL), f32),
            pltpu.VMEM((_SC_CHUNK, _D_VAL), f32),
            pltpu.VMEM((_SC_CHUNK, _D_KEY), f32),
            pltpu.VMEM((_SC_CHUNK, _D_KEY), f32),
            pltpu.SemaphoreType.DMA,
            pltpu.SemaphoreType.DMA,
            pltpu.SemaphoreType.DMA,
            pltpu.SemaphoreType.DMA,
            pltpu.SemaphoreType.DMA,
            pltpu.SemaphoreType.DMA,
        ],
    )

    n_tail = _PN // _TAIL_TB
    tail_w = (W1, W1, W1, b1, W2, b2, g_in, b_in, g_pr, b_pr)
    tail_w_specs = [
        pl.BlockSpec((_D_IN, _D_IN), lambda i: (0, 0)),
        pl.BlockSpec((_D_VAL, _D_IN), lambda i: (1, 0)),
        pl.BlockSpec((8, _D_IN), lambda i: ((_D_IN + _D_VAL) // 8, 0)),
        pl.BlockSpec((_D_IN,), lambda i: (0,)),
        pl.BlockSpec((_D_IN, 1), lambda i: (0, 0)),
        pl.BlockSpec((1,), lambda i: (0,)),
        pl.BlockSpec((_D_IN,), lambda i: (0,)),
        pl.BlockSpec((_D_IN,), lambda i: (0,)),
        pl.BlockSpec((_D_VAL,), lambda i: (0,)),
        pl.BlockSpec((_D_VAL,), lambda i: (0,)),
    ]

    def run_tail(part, pred, ksel, keys_p, y_prev):
        off = part * n_tail
        in_specs = [
            pl.BlockSpec((_TAIL_TB, _D_IN), lambda i, o=off: (i + o, 0)),
            pl.BlockSpec((_TAIL_TB, _D_VAL), lambda i: (i, 0)),
            pl.BlockSpec((_TAIL_TB, _D_KEY), lambda i: (i, 0)),
            pl.BlockSpec((_TAIL_TB, _D_KEY), lambda i: (i, 0)),
        ] + list(tail_w_specs)
        operands = [h2, pred, keys_p, ksel, *tail_w]
        body = _tail_body
        aliases = {}
        if y_prev is not None:
            body = _tail_body_alias
            in_specs.append(pl.BlockSpec((8, 128), lambda i: (0, 0)))
            operands.append(y_prev)
            aliases = {len(operands) - 1: 0}
        return pl.pallas_call(
            body,
            grid=(n_tail,),
            in_specs=in_specs,
            out_specs=[
                pl.BlockSpec((_TAIL_TB, _D_IN), lambda i, o=off: (i + o, 0)),
                pl.BlockSpec((1, 1), lambda i: (0, 0)),
                pl.BlockSpec((1, 1), lambda i: (0, 0)),
            ],
            out_shape=[
                jax.ShapeDtypeStruct((_N, _D_IN), f32),
                jax.ShapeDtypeStruct((1, 1), f32),
                jax.ShapeDtypeStruct((1, 1), f32),
            ],
            input_output_aliases=aliases,
        )(*operands)

    heads = [run_head(p) for p in range(_PARTS)]
    gathers = [gather(idx_p, V_mem, K_mem) for _, idx_p in heads]
    y = None
    asums, csums = [], []
    for p in range(_PARTS):
        keys_p = heads[p][0]
        pred_p, ksel_p = gathers[p]
        y, a_p, c_p = run_tail(p, pred_p, ksel_p, keys_p, y)
        asums.append(a_p[0, 0])
        csums.append(c_p[0, 0])

    y_out = y.reshape(_B, _L, _D_IN)
    inv_n = jnp.float32(1.0 / _N)
    return (y_out, sum(asums) * inv_n, sum(csums) * inv_n)

# --- scband reference (transcript-rebuilt; emitter-appended) ---
"""Pipeline reference for scband-cube-gated-block-41601053229200 (READ-ONLY COPY).

The authoritative reference and input builder live on the scoring server;
editing this copy changes nothing except your own understanding.
"""

import jax, jax.numpy as jnp
import numpy as np

B, L, D_IN = 4, 2048, 768
D_KEY, D_VAL = 128, 768
N_BITS = 16
N_SLOTS = 2 ** N_BITS


def _ln(x, g, b):
    m = x.mean(-1, keepdims=True)
    v = ((x - m) ** 2).mean(-1, keepdims=True)
    return (x - m) / jnp.sqrt(v + 1e-5) * g + b


def setup_inputs(seed: int = 0) -> dict:
    key = jax.random.key(seed)
    ks = [jax.random.fold_in(key, i) for i in range(16)]
    h_in = jax.random.normal(ks[0], (B, L, D_IN), dtype=jnp.float32)
    times = jax.random.randint(ks[1], (B, L), 0, 1000)
    Wk = jax.random.normal(ks[2], (D_IN, D_KEY), dtype=jnp.float32) * 0.02
    bk = jnp.zeros((D_KEY,), dtype=jnp.float32)
    Wp = jax.random.normal(ks[3], (D_KEY + 8, D_KEY), dtype=jnp.float32) * 0.02
    bp = jnp.zeros((D_KEY,), dtype=jnp.float32)
    W1 = jax.random.normal(ks[4], (D_IN + D_VAL + 1, D_IN), dtype=jnp.float32) * 0.02
    b1 = jnp.zeros((D_IN,), dtype=jnp.float32)
    W2 = jax.random.normal(ks[5], (D_IN, 1), dtype=jnp.float32) * 0.02
    b2 = jnp.zeros((1,), dtype=jnp.float32)
    g_in = jnp.ones((D_IN,), dtype=jnp.float32)
    b_in = jnp.zeros((D_IN,), dtype=jnp.float32)
    g_pr = jnp.ones((D_VAL,), dtype=jnp.float32)
    b_pr = jnp.zeros((D_VAL,), dtype=jnp.float32)
    proj = jax.random.normal(ks[6], (D_KEY, N_BITS), dtype=jnp.float32)
    K_mem = jax.random.normal(ks[7], (N_SLOTS, D_KEY), dtype=jnp.float32) * 0.05
    V_mem = jax.random.normal(ks[8], (N_SLOTS, D_VAL), dtype=jnp.float32) * 0.02
    return dict(h_in=h_in, times=times, Wk=Wk, bk=bk, Wp=Wp, bp=bp, W1=W1, b1=b1,
                W2=W2, b2=b2, g_in=g_in, b_in=b_in, g_pr=g_pr, b_pr=b_pr,
                proj=proj, K_mem=K_mem, V_mem=V_mem)


def reference(h_in, times, Wk, bk, Wp, bp, W1, b1, W2, b2, g_in, b_in, g_pr, b_pr, proj, K_mem, V_mem):
    Bq, Lq, Dq = h_in.shape
    keys = h_in @ Wk + bk
    t = times.astype(jnp.float32)
    two_pi = 2.0 * jnp.pi
    phi = jnp.stack([
        jnp.cos(two_pi * t / 1.0), jnp.cos(two_pi * t / 3.0), jnp.cos(two_pi * t / 9.0),
        jnp.sin(two_pi * t / 1.0), jnp.sin(two_pi * t / 3.0), jnp.sin(two_pi * t / 9.0)
    ], axis=-1)
    slot = times.astype(jnp.int32) % 5
    z5 = jax.nn.one_hot(slot, 5, dtype=jnp.float32)
    phase_full = jnp.concatenate([phi, z5], axis=-1)
    eye_w = jnp.eye(phase_full.shape[-1], dtype=jnp.float32)[:8]
    phase_feats = jnp.tanh(phase_full @ eye_w.T)
    k_cat = jnp.concatenate([keys, phase_feats], axis=-1)
    keys = k_cat @ Wp + bp
    keys = keys.reshape(Bq * Lq, -1)
    # MemoryCube.query: LSH hash -> slot index, gather value + key, confidence score
    bits = (keys @ proj) > 0
    idx = (bits.astype(jnp.int32) * (2 ** jnp.arange(N_BITS, dtype=jnp.int32))).sum(-1)
    pred = jnp.take(V_mem, idx, axis=0)
    k_sel = jnp.take(K_mem, idx, axis=0)
    conf = jax.nn.sigmoid((keys * k_sel).sum(-1) / jnp.sqrt(jnp.float32(keys.shape[-1])))
    pred = pred.reshape(Bq, Lq, -1)
    conf = conf.reshape(Bq, Lq, 1)
    feats = jnp.concatenate([_ln(h_in, g_in, b_in), _ln(pred, g_pr, b_pr), conf], axis=-1)
    alpha = jnp.clip(jax.nn.sigmoid(jax.nn.silu(feats @ W1 + b1) @ W2 + b2), 0.0, 1.0)
    y_resid = h_in + pred
    y_out = (1.0 - alpha) * h_in + alpha * y_resid
    return (y_out, alpha.mean(), conf.mean())

if __name__ == "__main__":
    import jax
    _d = setup_inputs()
    print(jax.jit(kernel)(*tuple(_d.values())))

</pallas_src>

<mosaic_0001>
#map = affine_map<(d0, d1) -> (0, 0)>
module attributes {stable_mosaic.version = 14 : i64} {
  func.func @_sc_gather_body(%arg0: i32, %arg1: i32, %arg2: memref<32x128xi32, #tpu.memory_space<hbm>>, %arg3: memref<65536x768xf32, #tpu.memory_space<hbm>>, %arg4: memref<65536x128xf32, #tpu.memory_space<hbm>>, %arg5: memref<4096x768xf32, #tpu.memory_space<hbm>>, %arg6: memref<4096x128xf32, #tpu.memory_space<hbm>>, %arg7: memref<128xi32, #tpu.memory_space<vmem>>, %arg8: memref<64x768xf32, #tpu.memory_space<vmem>>, %arg9: memref<64x768xf32, #tpu.memory_space<vmem>>, %arg10: memref<64x128xf32, #tpu.memory_space<vmem>>, %arg11: memref<64x128xf32, #tpu.memory_space<vmem>>, %arg12: memref<!tpu.dma_semaphore, #tpu.memory_space<semaphore_mem>>, %arg13: memref<!tpu.dma_semaphore, #tpu.memory_space<semaphore_mem>>, %arg14: memref<!tpu.dma_semaphore, #tpu.memory_space<semaphore_mem>>, %arg15: memref<!tpu.dma_semaphore, #tpu.memory_space<semaphore_mem>>, %arg16: memref<!tpu.dma_semaphore, #tpu.memory_space<semaphore_mem>>, %arg17: memref<!tpu.dma_semaphore, #tpu.memory_space<semaphore_mem>>) attributes {dimension_semantics = [#tpu.dimension_semantics<core_parallel>, #tpu.dimension_semantics<subcore_parallel>], iteration_bounds = array<i64: 2, 16>, scalar_prefetch = 0 : i64, scratch_operands = 11 : i64, tpu.core_type = #tpu.core_type<sc_vector_subcore>, window_params = [{transform_indices = #map}, {transform_indices = #map}, {transform_indices = #map}, {transform_indices = #map}, {transform_indices = #map}]} {
    %mul3A = arith.constant 2 : i32
    %mul3A_0 = arith.muli %arg1, %mul3A : i32
    %add3A = arith.addi %mul3A_0, %arg0 : i32
    %mul3A_1 = arith.constant 128 : i32
    %mul3A_2 = arith.muli %add3A, %mul3A_1 : i32
    %jit3A = arith.constant 128 : i32
    %div3A = arith.divsi %mul3A_2, %jit3A : i32
    %sign3A = arith.constant 0 : i32
    %sign3A_3 = arith.cmpi sgt, %mul3A_2, %sign3A : i32
    %sign3A_4 = arith.extui %sign3A_3 : i1 to i32
    %sign3A_5 = arith.constant 0 : i32
    %sign3A_6 = arith.cmpi slt, %mul3A_2, %sign3A_5 : i32
    %sign3A_7 = arith.extui %sign3A_6 : i1 to i32
    %sign3A_8 = arith.subi %sign3A_4, %sign3A_7 : i32
    %sign3A_9 = arith.constant 0 : i32
    %sign3A_10 = arith.cmpi sgt, %jit3A, %sign3A_9 : i32
    %sign3A_11 = arith.extui %sign3A_10 : i1 to i32
    %sign3A_12 = arith.constant 0 : i32
    %sign3A_13 = arith.cmpi slt, %jit3A, %sign3A_12 : i32
    %sign3A_14 = arith.extui %sign3A_13 : i1 to i32
    %sign3A_15 = arith.subi %sign3A_11, %sign3A_14 : i32
    %ne3A = arith.cmpi ne, %sign3A_8, %sign3A_15 : i32
    %rem3A = arith.remsi %mul3A_2, %jit3A : i32
    %ne3A_16 = arith.constant 0 : i32
    %ne3A_17 = arith.cmpi ne, %rem3A, %ne3A_16 : i32
    %and3A = arith.andi %ne3A, %ne3A_17 : i1
    %sub3A = arith.constant 1 : i32
    %sub3A_18 = arith.subi %div3A, %sub3A : i32
    %select_n3A = arith.select %and3A, %sub3A_18, %div3A : i32
    %jit3A_19 = arith.constant 128 : i32
    %eq3A = arith.constant 0 : i32
    %eq3A_20 = arith.cmpi eq, %jit3A_19, %eq3A : i32
    %jit3A_21 = arith.constant 1 : i32
    %select_n3A_22 = arith.select %eq3A_20, %jit3A_21, %jit3A_19 : i32
    %rem3A_23 = arith.remsi %mul3A_2, %select_n3A_22 : i32
    %ne3A_24 = arith.constant 0 : i32
    %ne3A_25 = arith.cmpi ne, %rem3A_23, %ne3A_24 : i32
    %lt3A = arith.constant 0 : i32
    %lt3A_26 = arith.cmpi slt, %rem3A_23, %lt3A : i32
    %lt3A_27 = arith.constant 0 : i32
    %lt3A_28 = arith.cmpi slt, %select_n3A_22, %lt3A_27 : i32
    %ne3A_29 = arith.xori %lt3A_26, %lt3A_28 : i1
    %and3A_30 = arith.andi %ne3A_29, %ne3A_25 : i1
    %add3A_31 = arith.addi %rem3A_23, %select_n3A_22 : i32
    %select_n3A_32 = arith.select %and3A_30, %add3A_31, %rem3A_23 : i32
    "tpu.region"() ({
      %run_scoped3A = tpu.sem_alloc : memref<!tpu.dma_semaphore, #tpu.memory_space<semaphore_mem>>
      %dma_start3A_107 = tpu.memref_slice %arg2[%select_n3A, %select_n3A_32] : memref<32x128xi32, #tpu.memory_space<hbm>> -> memref<1x128xi32, #tpu.memory_space<hbm>>
      %dma_start3A_108 = tpu.memref_squeeze %dma_start3A_107 : memref<1x128xi32, #tpu.memory_space<hbm>> -> memref<128xi32, #tpu.memory_space<hbm>>
      %dma_start3A_109 = tpu.memref_slice %arg2[%select_n3A, %select_n3A_32] : memref<32x128xi32, #tpu.memory_space<hbm>> -> memref<1x128xi32, #tpu.memory_space<hbm>>
      %dma_start3A_110 = tpu.memref_squeeze %dma_start3A_109 : memref<1x128xi32, #tpu.memory_space<hbm>> -> memref<128xi32, #tpu.memory_space<hbm>>
      tpu.enqueue_dma source(%dma_start3A_110 : memref<128xi32, #tpu.memory_space<hbm>>) target(%arg7 : memref<128xi32, #tpu.memory_space<vmem>>) target_semaphore(%run_scoped3A : memref<!tpu.dma_semaphore, #tpu.memory_space<semaphore_mem>>)
      %dma_wait3A_111 = tpu.memref_slice %arg2[%select_n3A, %select_n3A_32] : memref<32x128xi32, #tpu.memory_space<hbm>> -> memref<1x128xi32, #tpu.memory_space<hbm>>
      %dma_wait3A_112 = tpu.memref_squeeze %dma_wait3A_111 : memref<1x128xi32, #tpu.memory_space<hbm>> -> memref<128xi32, #tpu.memory_space<hbm>>
      %dma_wait3A_113 = tpu.memref_slice %arg2[%select_n3A, %select_n3A_32] : memref<32x128xi32, #tpu.memory_space<hbm>> -> memref<1x128xi32, #tpu.memory_space<hbm>>
      %dma_wait3A_114 = tpu.memref_squeeze %dma_wait3A_113 : memref<1x128xi32, #tpu.memory_space<hbm>> -> memref<128xi32, #tpu.memory_space<hbm>>
      tpu.wait_dma2 semaphore(%run_scoped3A : memref<!tpu.dma_semaphore, #tpu.memory_space<semaphore_mem>>) src(%dma_wait3A_114 : memref<128xi32, #tpu.memory_space<hbm>>) dst(%arg7 : memref<128xi32, #tpu.memory_space<vmem>>)
      tpu.yield
    }) : () -> ()
    %dma_start3A = arith.constant 0 : i32
    %dma_start3A_33 = tpu.memref_slice %arg7[%dma_start3A] : memref<128xi32, #tpu.memory_space<vmem>> -> memref<64xi32, #tpu.memory_space<vmem>>
    %dma_start3A_34 = arith.constant 0 : i32
    %dma_start3A_35 = arith.constant 0 : i32
    %dma_start3A_36 = tpu.memref_slice %arg3[%dma_start3A_34, %dma_start3A_35] : memref<65536x768xf32, #tpu.memory_space<hbm>> -> memref<65536x768xf32, #tpu.memory_space<hbm>>
    tpu.enqueue_indirect_dma source(%dma_start3A_36 : memref<65536x768xf32, #tpu.memory_space<hbm>>) target(%arg8 : memref<64x768xf32, #tpu.memory_space<vmem>>) offsets(%dma_start3A_33 : memref<64xi32, #tpu.memory_space<vmem>>) semaphore(%arg12 : memref<!tpu.dma_semaphore, #tpu.memory_space<semaphore_mem>>)
    %dma_start3A_37 = arith.constant 0 : i32
    %dma_start3A_38 = tpu.memref_slice %arg7[%dma_start3A_37] : memref<128xi32, #tpu.memory_space<vmem>> -> memref<64xi32, #tpu.memory_space<vmem>>
    %dma_start3A_39 = arith.constant 0 : i32
    %dma_start3A_40 = arith.constant 0 : i32
    %dma_start3A_41 = tpu.memref_slice %arg4[%dma_start3A_39, %dma_start3A_40] : memref<65536x128xf32, #tpu.memory_space<hbm>> -> memref<65536x128xf32, #tpu.memory_space<hbm>>
    tpu.enqueue_indirect_dma source(%dma_start3A_41 : memref<65536x128xf32, #tpu.memory_space<hbm>>) target(%arg10 : memref<64x128xf32, #tpu.memory_space<vmem>>) offsets(%dma_start3A_38 : memref<64xi32, #tpu.memory_space<vmem>>) semaphore(%arg14 : memref<!tpu.dma_semaphore, #tpu.memory_space<semaphore_mem>>)
    %dma_start3A_42 = arith.constant 64 : i32
    %dma_start3A_43 = tpu.memref_slice %arg7[%dma_start3A_42] : memref<128xi32, #tpu.memory_space<vmem>> -> memref<64xi32, #tpu.memory_space<vmem>>
    %dma_start3A_44 = arith.constant 0 : i32
    %dma_start3A_45 = arith.constant 0 : i32
    %dma_start3A_46 = tpu.memref_slice %arg3[%dma_start3A_44, %dma_start3A_45] : memref<65536x768xf32, #tpu.memory_space<hbm>> -> memref<65536x768xf32, #tpu.memory_space<hbm>>
    tpu.enqueue_indirect_dma source(%dma_start3A_46 : memref<65536x768xf32, #tpu.memory_space<hbm>>) target(%arg9 : memref<64x768xf32, #tpu.memory_space<vmem>>) offsets(%dma_start3A_43 : memref<64xi32, #tpu.memory_space<vmem>>) semaphore(%arg13 : memref<!tpu.dma_semaphore, #tpu.memory_space<semaphore_mem>>)
    %dma_start3A_47 = arith.constant 64 : i32
    %dma_start3A_48 = tpu.memref_slice %arg7[%dma_start3A_47] : memref<128xi32, #tpu.memory_space<vmem>> -> memref<64xi32, #tpu.memory_space<vmem>>
    %dma_start3A_49 = arith.constant 0 : i32
    %dma_start3A_50 = arith.constant 0 : i32
    %dma_start3A_51 = tpu.memref_slice %arg4[%dma_start3A_49, %dma_start3A_50] : memref<65536x128xf32, #tpu.memory_space<hbm>> -> memref<65536x128xf32, #tpu.memory_space<hbm>>
    tpu.enqueue_indirect_dma source(%dma_start3A_51 : memref<65536x128xf32, #tpu.memory_space<hbm>>) target(%arg11 : memref<64x128xf32, #tpu.memory_space<vmem>>) offsets(%dma_start3A_48 : memref<64xi32, #tpu.memory_space<vmem>>) semaphore(%arg15 : memref<!tpu.dma_semaphore, #tpu.memory_space<semaphore_mem>>)
    %dma_wait3A = arith.constant 0 : i32
    %dma_wait3A_52 = tpu.memref_slice %arg7[%dma_wait3A] : memref<128xi32, #tpu.memory_space<vmem>> -> memref<64xi32, #tpu.memory_space<vmem>>
    %dma_wait3A_53 = arith.constant 0 : i32
    %dma_wait3A_54 = arith.constant 0 : i32
    %dma_wait3A_55 = tpu.memref_slice %arg3[%dma_wait3A_53, %dma_wait3A_54] : memref<65536x768xf32, #tpu.memory_space<hbm>> -> memref<65536x768xf32, #tpu.memory_space<hbm>>
    tpu.wait_indirect_dma semaphore(%arg12 : memref<!tpu.dma_semaphore, #tpu.memory_space<semaphore_mem>>) src(%dma_wait3A_55 : memref<65536x768xf32, #tpu.memory_space<hbm>>) dst(%arg8 : memref<64x768xf32, #tpu.memory_space<vmem>>)
    %dma_wait3A_56 = arith.constant 0 : i32
    %dma_wait3A_57 = tpu.memref_slice %arg7[%dma_wait3A_56] : memref<128xi32, #tpu.memory_space<vmem>> -> memref<64xi32, #tpu.memory_space<vmem>>
    %dma_wait3A_58 = arith.constant 0 : i32
    %dma_wait3A_59 = arith.constant 0 : i32
    %dma_wait3A_60 = tpu.memref_slice %arg4[%dma_wait3A_58, %dma_wait3A_59] : memref<65536x128xf32, #tpu.memory_space<hbm>> -> memref<65536x128xf32, #tpu.memory_space<hbm>>
    tpu.wait_indirect_dma semaphore(%arg14 : memref<!tpu.dma_semaphore, #tpu.memory_space<semaphore_mem>>) src(%dma_wait3A_60 : memref<65536x128xf32, #tpu.memory_space<hbm>>) dst(%arg10 : memref<64x128xf32, #tpu.memory_space<vmem>>)
    %add3A_61 = arith.constant 0 : i32
    %add3A_62 = arith.addi %mul3A_2, %add3A_61 : i32
    %dma_start3A_63 = arith.constant 0 : i32
    %dma_start3A_64 = tpu.memref_slice %arg5[%add3A_62, %dma_start3A_63] : memref<4096x768xf32, #tpu.memory_space<hbm>> -> memref<64x768xf32, #tpu.memory_space<hbm>>
    %dma_start3A_65 = arith.constant 0 : i32
    %dma_start3A_66 = tpu.memref_slice %arg5[%add3A_62, %dma_start3A_65] : memref<4096x768xf32, #tpu.memory_space<hbm>> -> memref<64x768xf32, #tpu.memory_space<hbm>>
    tpu.enqueue_dma source(%arg8 : memref<64x768xf32, #tpu.memory_space<vmem>>) target(%dma_start3A_66 : memref<64x768xf32, #tpu.memory_space<hbm>>) target_semaphore(%arg16 : memref<!tpu.dma_semaphore, #tpu.memory_space<semaphore_mem>>)
    %dma_start3A_67 = arith.constant 0 : i32
    %dma_start3A_68 = tpu.memref_slice %arg6[%add3A_62, %dma_start3A_67] : memref<4096x128xf32, #tpu.memory_space<hbm>> -> memref<64x128xf32, #tpu.memory_space<hbm>>
    %dma_start3A_69 = arith.constant 0 : i32
    %dma_start3A_70 = tpu.memref_slice %arg6[%add3A_62, %dma_start3A_69] : memref<4096x128xf32, #tpu.memory_space<hbm>> -> memref<64x128xf32, #tpu.memory_space<hbm>>
    tpu.enqueue_dma source(%arg10 : memref<64x128xf32, #tpu.memory_space<vmem>>) target(%dma_start3A_70 : memref<64x128xf32, #tpu.memory_space<hbm>>) target_semaphore(%arg16 : memref<!tpu.dma_semaphore, #tpu.memory_space<semaphore_mem>>)
    %dma_wait3A_71 = arith.constant 64 : i32
    %dma_wait3A_72 = tpu.memref_slice %arg7[%dma_wait3A_71] : memref<128xi32, #tpu.memory_space<vmem>> -> memref<64xi32, #tpu.memory_space<vmem>>
    %dma_wait3A_73 = arith.constant 0 : i32
    %dma_wait3A_74 = arith.constant 0 : i32
    %dma_wait3A_75 = tpu.memref_slice %arg3[%dma_wait3A_73, %dma_wait3A_74] : memref<65536x768xf32, #tpu.memory_space<hbm>> -> memref<65536x768xf32, #tpu.memory_space<hbm>>
    tpu.wait_indirect_dma semaphore(%arg13 : memref<!tpu.dma_semaphore, #tpu.memory_space<semaphore_mem>>) src(%dma_wait3A_75 : memref<65536x768xf32, #tpu.memory_space<hbm>>) dst(%arg9 : memref<64x768xf32, #tpu.memory_space<vmem>>)
    %dma_wait3A_76 = arith.constant 64 : i32
    %dma_wait3A_77 = tpu.memref_slice %arg7[%dma_wait3A_76] : memref<128xi32, #tpu.memory_space<vmem>> -> memref<64xi32, #tpu.memory_space<vmem>>
    %dma_wait3A_78 = arith.constant 0 : i32
    %dma_wait3A_79 = arith.constant 0 : i32
    %dma_wait3A_80 = tpu.memref_slice %arg4[%dma_wait3A_78, %dma_wait3A_79] : memref<65536x128xf32, #tpu.memory_space<hbm>> -> memref<65536x128xf32, #tpu.memory_space<hbm>>
    tpu.wait_indirect_dma semaphore(%arg15 : memref<!tpu.dma_semaphore, #tpu.memory_space<semaphore_mem>>) src(%dma_wait3A_80 : memref<65536x128xf32, #tpu.memory_space<hbm>>) dst(%arg11 : memref<64x128xf32, #tpu.memory_space<vmem>>)
    %add3A_81 = arith.constant 64 : i32
    %add3A_82 = arith.addi %mul3A_2, %add3A_81 : i32
    %dma_start3A_83 = arith.constant 0 : i32
    %dma_start3A_84 = tpu.memref_slice %arg5[%add3A_82, %dma_start3A_83] : memref<4096x768xf32, #tpu.memory_space<hbm>> -> memref<64x768xf32, #tpu.memory_space<hbm>>
    %dma_start3A_85 = arith.constant 0 : i32
    %dma_start3A_86 = tpu.memref_slice %arg5[%add3A_82, %dma_start3A_85] : memref<4096x768xf32, #tpu.memory_space<hbm>> -> memref<64x768xf32, #tpu.memory_space<hbm>>
    tpu.enqueue_dma source(%arg9 : memref<64x768xf32, #tpu.memory_space<vmem>>) target(%dma_start3A_86 : memref<64x768xf32, #tpu.memory_space<hbm>>) target_semaphore(%arg17 : memref<!tpu.dma_semaphore, #tpu.memory_space<semaphore_mem>>)
    %dma_start3A_87 = arith.constant 0 : i32
    %dma_start3A_88 = tpu.memref_slice %arg6[%add3A_82, %dma_start3A_87] : memref<4096x128xf32, #tpu.memory_space<hbm>> -> memref<64x128xf32, #tpu.memory_space<hbm>>
    %dma_start3A_89 = arith.constant 0 : i32
    %dma_start3A_90 = tpu.memref_slice %arg6[%add3A_82, %dma_start3A_89] : memref<4096x128xf32, #tpu.memory_space<hbm>> -> memref<64x128xf32, #tpu.memory_space<hbm>>
    tpu.enqueue_dma source(%arg11 : memref<64x128xf32, #tpu.memory_space<vmem>>) target(%dma_start3A_90 : memref<64x128xf32, #tpu.memory_space<hbm>>) target_semaphore(%arg17 : memref<!tpu.dma_semaphore, #tpu.memory_space<semaphore_mem>>)
    %dma_wait3A_91 = arith.constant 0 : i32
    %dma_wait3A_92 = tpu.memref_slice %arg5[%add3A_62, %dma_wait3A_91] : memref<4096x768xf32, #tpu.memory_space<hbm>> -> memref<64x768xf32, #tpu.memory_space<hbm>>
    %dma_wait3A_93 = arith.constant 0 : i32
    %dma_wait3A_94 = tpu.memref_slice %arg5[%add3A_62, %dma_wait3A_93] : memref<4096x768xf32, #tpu.memory_space<hbm>> -> memref<64x768xf32, #tpu.memory_space<hbm>>
    tpu.wait_dma2 semaphore(%arg16 : memref<!tpu.dma_semaphore, #tpu.memory_space<semaphore_mem>>) src(%arg8 : memref<64x768xf32, #tpu.memory_space<vmem>>) dst(%dma_wait3A_94 : memref<64x768xf32, #tpu.memory_space<hbm>>)
    %dma_wait3A_95 = arith.constant 0 : i32
    %dma_wait3A_96 = tpu.memref_slice %arg6[%add3A_62, %dma_wait3A_95] : memref<4096x128xf32, #tpu.memory_space<hbm>> -> memref<64x128xf32, #tpu.memory_space<hbm>>
    %dma_wait3A_97 = arith.constant 0 : i32
    %dma_wait3A_98 = tpu.memref_slice %arg6[%add3A_62, %dma_wait3A_97] : memref<4096x128xf32, #tpu.memory_space<hbm>> -> memref<64x128xf32, #tpu.memory_space<hbm>>
    tpu.wait_dma2 semaphore(%arg16 : memref<!tpu.dma_semaphore, #tpu.memory_space<semaphore_mem>>) src(%arg10 : memref<64x128xf32, #tpu.memory_space<vmem>>) dst(%dma_wait3A_98 : memref<64x128xf32, #tpu.memory_space<hbm>>)
    %dma_wait3A_99 = arith.constant 0 : i32
    %dma_wait3A_100 = tpu.memref_slice %arg5[%add3A_82, %dma_wait3A_99] : memref<4096x768xf32, #tpu.memory_space<hbm>> -> memref<64x768xf32, #tpu.memory_space<hbm>>
    %dma_wait3A_101 = arith.constant 0 : i32
    %dma_wait3A_102 = tpu.memref_slice %arg5[%add3A_82, %dma_wait3A_101] : memref<4096x768xf32, #tpu.memory_space<hbm>> -> memref<64x768xf32, #tpu.memory_space<hbm>>
    tpu.wait_dma2 semaphore(%arg17 : memref<!tpu.dma_semaphore, #tpu.memory_space<semaphore_mem>>) src(%arg9 : memref<64x768xf32, #tpu.memory_space<vmem>>) dst(%dma_wait3A_102 : memref<64x768xf32, #tpu.memory_space<hbm>>)
    %dma_wait3A_103 = arith.constant 0 : i32
    %dma_wait3A_104 = tpu.memref_slice %arg6[%add3A_82, %dma_wait3A_103] : memref<4096x128xf32, #tpu.memory_space<hbm>> -> memref<64x128xf32, #tpu.memory_space<hbm>>
    %dma_wait3A_105 = arith.constant 0 : i32
    %dma_wait3A_106 = tpu.memref_slice %arg6[%add3A_82, %dma_wait3A_105] : memref<4096x128xf32, #tpu.memory_space<hbm>> -> memref<64x128xf32, #tpu.memory_space<hbm>>
    tpu.wait_dma2 semaphore(%arg17 : memref<!tpu.dma_semaphore, #tpu.memory_space<semaphore_mem>>) src(%arg11 : memref<64x128xf32, #tpu.memory_space<vmem>>) dst(%dma_wait3A_106 : memref<64x128xf32, #tpu.memory_space<hbm>>)
    return
  }
}

#map = affine_map<(d0, d1) -> (0, 0)>
module attributes {stable_mosaic.version = 14 : i64} {
  func.func @_sc_gather_body(%arg0: i32, %arg1: i32, %arg2: memref<32x128xi32, #tpu.memory_space<hbm>>, %arg3: memref<65536x768xf32, #tpu.memory_space<hbm>>, %arg4: memref<65536x128xf32, #tpu.memory_space<hbm>>, %arg5: memref<4096x768xf32, #tpu.memory_space<hbm>>, %arg6: memref<4096x128xf32, #tpu.memory_space<hbm>>, %arg7: memref<128xi32, #tpu.memory_space<vmem>>, %arg8: memref<64x768xf32, #tpu.memory_space<vmem>>, %arg9: memref<64x768xf32, #tpu.memory_space<vmem>>, %arg10: memref<64x128xf32, #tpu.memory_space<vmem>>, %arg11: memref<64x128xf32, #tpu.memory_space<vmem>>, %arg12: memref<!tpu.dma_semaphore, #tpu.memory_space<semaphore_mem>>, %arg13: memref<!tpu.dma_semaphore, #tpu.memory_space<semaphore_mem>>, %arg14: memref<!tpu.dma_semaphore, #tpu.memory_space<semaphore_mem>>, %arg15: memref<!tpu.dma_semaphore, #tpu.memory_space<semaphore_mem>>, %arg16: memref<!tpu.dma_semaphore, #tpu.memory_space<semaphore_mem>>, %arg17: memref<!tpu.dma_semaphore, #tpu.memory_space<semaphore_mem>>) attributes {dimension_semantics = [#tpu.dimension_semantics<core_parallel>, #tpu.dimension_semantics<subcore_parallel>], iteration_bounds = array<i64: 2, 16>, scalar_prefetch = 0 : i64, scratch_operands = 11 : i64, tpu.core_type = #tpu.core_type<sc_vector_subcore>, window_params = [{transform_indices = #map}, {transform_indices = #map}, {transform_indices = #map}, {transform_indices = #map}, {transform_indices = #map}]} {
    %mul3A = arith.constant 2 : i32
    %mul3A_0 = arith.muli %arg1, %mul3A : i32
    %add3A = arith.addi %mul3A_0, %arg0 : i32
    %mul3A_1 = arith.constant 128 : i32
    %mul3A_2 = arith.muli %add3A, %mul3A_1 : i32
    %jit3A = arith.constant 128 : i32
    %div3A = arith.divsi %mul3A_2, %jit3A : i32
    %sign3A = arith.constant 0 : i32
    %sign3A_3 = arith.cmpi sgt, %mul3A_2, %sign3A : i32
    %sign3A_4 = arith.extui %sign3A_3 : i1 to i32
    %sign3A_5 = arith.constant 0 : i32
    %sign3A_6 = arith.cmpi slt, %mul3A_2, %sign3A_5 : i32
    %sign3A_7 = arith.extui %sign3A_6 : i1 to i32
    %sign3A_8 = arith.subi %sign3A_4, %sign3A_7 : i32
    %sign3A_9 = arith.constant 0 : i32
    %sign3A_10 = arith.cmpi sgt, %jit3A, %sign3A_9 : i32
    %sign3A_11 = arith.extui %sign3A_10 : i1 to i32
    %sign3A_12 = arith.constant 0 : i32
    %sign3A_13 = arith.cmpi slt, %jit3A, %sign3A_12 : i32
    %sign3A_14 = arith.extui %sign3A_13 : i1 to i32
    %sign3A_15 = arith.subi %sign3A_11, %sign3A_14 : i32
    %ne3A = arith.cmpi ne, %sign3A_8, %sign3A_15 : i32
    %rem3A = arith.remsi %mul3A_2, %jit3A : i32
    %ne3A_16 = arith.constant 0 : i32
    %ne3A_17 = arith.cmpi ne, %rem3A, %ne3A_16 : i32
    %and3A = arith.andi %ne3A, %ne3A_17 : i1
    %sub3A = arith.constant 1 : i32
    %sub3A_18 = arith.subi %div3A, %sub3A : i32
    %select_n3A = arith.select %and3A, %sub3A_18, %div3A : i32
    %jit3A_19 = arith.constant 128 : i32
    %eq3A = arith.constant 0 : i32
    %eq3A_20 = arith.cmpi eq, %jit3A_19, %eq3A : i32
    %jit3A_21 = arith.constant 1 : i32
    %select_n3A_22 = arith.select %eq3A_20, %jit3A_21, %jit3A_19 : i32
    %rem3A_23 = arith.remsi %mul3A_2, %select_n3A_22 : i32
    %ne3A_24 = arith.constant 0 : i32
    %ne3A_25 = arith.cmpi ne, %rem3A_23, %ne3A_24 : i32
    %lt3A = arith.constant 0 : i32
    %lt3A_26 = arith.cmpi slt, %rem3A_23, %lt3A : i32
    %lt3A_27 = arith.constant 0 : i32
    %lt3A_28 = arith.cmpi slt, %select_n3A_22, %lt3A_27 : i32
    %ne3A_29 = arith.xori %lt3A_26, %lt3A_28 : i1
    %and3A_30 = arith.andi %ne3A_29, %ne3A_25 : i1
    %add3A_31 = arith.addi %rem3A_23, %select_n3A_22 : i32
    %select_n3A_32 = arith.select %and3A_30, %add3A_31, %rem3A_23 : i32
    "tpu.region"() ({
      %run_scoped3A = tpu.sem_alloc : memref<!tpu.dma_semaphore, #tpu.memory_space<semaphore_mem>>
      %dma_start3A_107 = tpu.memref_slice %arg2[%select_n3A, %select_n3A_32] : memref<32x128xi32, #tpu.memory_space<hbm>> -> memref<1x128xi32, #tpu.memory_space<hbm>>
      %dma_start3A_108 = tpu.memref_squeeze %dma_start3A_107 : memref<1x128xi32, #tpu.memory_space<hbm>> -> memref<128xi32, #tpu.memory_space<hbm>>
      %dma_start3A_109 = tpu.memref_slice %arg2[%select_n3A, %select_n3A_32] : memref<32x128xi32, #tpu.memory_space<hbm>> -> memref<1x128xi32, #tpu.memory_space<hbm>>
      %dma_start3A_110 = tpu.memref_squeeze %dma_start3A_109 : memref<1x128xi32, #tpu.memory_space<hbm>> -> memref<128xi32, #tpu.memory_space<hbm>>
      tpu.enqueue_dma source(%dma_start3A_110 : memref<128xi32, #tpu.memory_space<hbm>>) target(%arg7 : memref<128xi32, #tpu.memory_space<vmem>>) target_semaphore(%run_scoped3A : memref<!tpu.dma_semaphore, #tpu.memory_space<semaphore_mem>>)
      %dma_wait3A_111 = tpu.memref_slice %arg2[%select_n3A, %select_n3A_32] : memref<32x128xi32, #tpu.memory_space<hbm>> -> memref<1x128xi32, #tpu.memory_space<hbm>>
      %dma_wait3A_112 = tpu.memref_squeeze %dma_wait3A_111 : memref<1x128xi32, #tpu.memory_space<hbm>> -> memref<128xi32, #tpu.memory_space<hbm>>
      %dma_wait3A_113 = tpu.memref_slice %arg2[%select_n3A, %select_n3A_32] : memref<32x128xi32, #tpu.memory_space<hbm>> -> memref<1x128xi32, #tpu.memory_space<hbm>>
      %dma_wait3A_114 = tpu.memref_squeeze %dma_wait3A_113 : memref<1x128xi32, #tpu.memory_space<hbm>> -> memref<128xi32, #tpu.memory_space<hbm>>
      tpu.wait_dma2 semaphore(%run_scoped3A : memref<!tpu.dma_semaphore, #tpu.memory_space<semaphore_mem>>) src(%dma_wait3A_114 : memref<128xi32, #tpu.memory_space<hbm>>) dst(%arg7 : memref<128xi32, #tpu.memory_space<vmem>>)
      tpu.yield
    }) : () -> ()
    %dma_start3A = arith.constant 0 : i32
    %dma_start3A_33 = tpu.memref_slice %arg7[%dma_start3A] : memref<128xi32, #tpu.memory_space<vmem>> -> memref<64xi32, #tpu.memory_space<vmem>>
    %dma_start3A_34 = arith.constant 0 : i32
    %dma_start3A_35 = arith.constant 0 : i32
    %dma_start3A_36 = tpu.memref_slice %arg3[%dma_start3A_34, %dma_start3A_35] : memref<65536x768xf32, #tpu.memory_space<hbm>> -> memref<65536x768xf32, #tpu.memory_space<hbm>>
    tpu.enqueue_indirect_dma source(%dma_start3A_36 : memref<65536x768xf32, #tpu.memory_space<hbm>>) target(%arg8 : memref<64x768xf32, #tpu.memory_space<vmem>>) offsets(%dma_start3A_33 : memref<64xi32, #tpu.memory_space<vmem>>) semaphore(%arg12 : memref<!tpu.dma_semaphore, #tpu.memory_space<semaphore_mem>>)
    %dma_start3A_37 = arith.constant 0 : i32
    %dma_start3A_38 = tpu.memref_slice %arg7[%dma_start3A_37] : memref<128xi32, #tpu.memory_space<vmem>> -> memref<64xi32, #tpu.memory_space<vmem>>
    %dma_start3A_39 = arith.constant 0 : i32
    %dma_start3A_40 = arith.constant 0 : i32
    %dma_start3A_41 = tpu.memref_slice %arg4[%dma_start3A_39, %dma_start3A_40] : memref<65536x128xf32, #tpu.memory_space<hbm>> -> memref<65536x128xf32, #tpu.memory_space<hbm>>
    tpu.enqueue_indirect_dma source(%dma_start3A_41 : memref<65536x128xf32, #tpu.memory_space<hbm>>) target(%arg10 : memref<64x128xf32, #tpu.memory_space<vmem>>) offsets(%dma_start3A_38 : memref<64xi32, #tpu.memory_space<vmem>>) semaphore(%arg14 : memref<!tpu.dma_semaphore, #tpu.memory_space<semaphore_mem>>)
    %dma_start3A_42 = arith.constant 64 : i32
    %dma_start3A_43 = tpu.memref_slice %arg7[%dma_start3A_42] : memref<128xi32, #tpu.memory_space<vmem>> -> memref<64xi32, #tpu.memory_space<vmem>>
    %dma_start3A_44 = arith.constant 0 : i32
    %dma_start3A_45 = arith.constant 0 : i32
    %dma_start3A_46 = tpu.memref_slice %arg3[%dma_start3A_44, %dma_start3A_45] : memref<65536x768xf32, #tpu.memory_space<hbm>> -> memref<65536x768xf32, #tpu.memory_space<hbm>>
    tpu.enqueue_indirect_dma source(%dma_start3A_46 : memref<65536x768xf32, #tpu.memory_space<hbm>>) target(%arg9 : memref<64x768xf32, #tpu.memory_space<vmem>>) offsets(%dma_start3A_43 : memref<64xi32, #tpu.memory_space<vmem>>) semaphore(%arg13 : memref<!tpu.dma_semaphore, #tpu.memory_space<semaphore_mem>>)
    %dma_start3A_47 = arith.constant 64 : i32
    %dma_start3A_48 = tpu.memref_slice %arg7[%dma_start3A_47] : memref<128xi32, #tpu.memory_space<vmem>> -> memref<64xi32, #tpu.memory_space<vmem>>
    %dma_start3A_49 = arith.constant 0 : i32
    %dma_start3A_50 = arith.constant 0 : i32
    %dma_start3A_51 = tpu.memref_slice %arg4[%dma_start3A_49, %dma_start3A_50] : memref<65536x128xf32, #tpu.memory_space<hbm>> -> memref<65536x128xf32, #tpu.memory_space<hbm>>
    tpu.enqueue_indirect_dma source(%dma_start3A_51 : memref<65536x128xf32, #tpu.memory_space<hbm>>) target(%arg11 : memref<64x128xf32, #tpu.memory_space<vmem>>) offsets(%dma_start3A_48 : memref<64xi32, #tpu.memory_space<vmem>>) semaphore(%arg15 : memref<!tpu.dma_semaphore, #tpu.memory_space<semaphore_mem>>)
    %dma_wait3A = arith.constant 0 : i32
    %dma_wait3A_52 = tpu.memref_slice %arg7[%dma_wait3A] : memref<128xi32, #tpu.memory_space<vmem>> -> memref<64xi32, #tpu.memory_space<vmem>>
    %dma_wait3A_53 = arith.constant 0 : i32
    %dma_wait3A_54 = arith.constant 0 : i32
    %dma_wait3A_55 = tpu.memref_slice %arg3[%dma_wait3A_53, %dma_wait3A_54] : memref<65536x768xf32, #tpu.memory_space<hbm>> -> memref<65536x768xf32, #tpu.memory_space<hbm>>
    tpu.wait_indirect_dma semaphore(%arg12 : memref<!tpu.dma_semaphore, #tpu.memory_space<semaphore_mem>>) src(%dma_wait3A_55 : memref<65536x768xf32, #tpu.memory_space<hbm>>) dst(%arg8 : memref<64x768xf32, #tpu.memory_space<vmem>>)
    %dma_wait3A_56 = arith.constant 0 : i32
    %dma_wait3A_57 = tpu.memref_slice %arg7[%dma_wait3A_56] : memref<128xi32, #tpu.memory_space<vmem>> -> memref<64xi32, #tpu.memory_space<vmem>>
    %dma_wait3A_58 = arith.constant 0 : i32
    %dma_wait3A_59 = arith.constant 0 : i32
    %dma_wait3A_60 = tpu.memref_slice %arg4[%dma_wait3A_58, %dma_wait3A_59] : memref<65536x128xf32, #tpu.memory_space<hbm>> -> memref<65536x128xf32, #tpu.memory_space<hbm>>
    tpu.wait_indirect_dma semaphore(%arg14 : memref<!tpu.dma_semaphore, #tpu.memory_space<semaphore_mem>>) src(%dma_wait3A_60 : memref<65536x128xf32, #tpu.memory_space<hbm>>) dst(%arg10 : memref<64x128xf32, #tpu.memory_space<vmem>>)
    %add3A_61 = arith.constant 0 : i32
    %add3A_62 = arith.addi %mul3A_2, %add3A_61 : i32
    %dma_start3A_63 = arith.constant 0 : i32
    %dma_start3A_64 = tpu.memref_slice %arg5[%add3A_62, %dma_start3A_63] : memref<4096x768xf32, #tpu.memory_space<hbm>> -> memref<64x768xf32, #tpu.memory_space<hbm>>
    %dma_start3A_65 = arith.constant 0 : i32
    %dma_start3A_66 = tpu.memref_slice %arg5[%add3A_62, %dma_start3A_65] : memref<4096x768xf32, #tpu.memory_space<hbm>> -> memref<64x768xf32, #tpu.memory_space<hbm>>
    tpu.enqueue_dma source(%arg8 : memref<64x768xf32, #tpu.memory_space<vmem>>) target(%dma_start3A_66 : memref<64x768xf32, #tpu.memory_space<hbm>>) target_semaphore(%arg16 : memref<!tpu.dma_semaphore, #tpu.memory_space<semaphore_mem>>)
    %dma_start3A_67 = arith.constant 0 : i32
    %dma_start3A_68 = tpu.memref_slice %arg6[%add3A_62, %dma_start3A_67] : memref<4096x128xf32, #tpu.memory_space<hbm>> -> memref<64x128xf32, #tpu.memory_space<hbm>>
    %dma_start3A_69 = arith.constant 0 : i32
    %dma_start3A_70 = tpu.memref_slice %arg6[%add3A_62, %dma_start3A_69] : memref<4096x128xf32, #tpu.memory_space<hbm>> -> memref<64x128xf32, #tpu.memory_space<hbm>>
    tpu.enqueue_dma source(%arg10 : memref<64x128xf32, #tpu.memory_space<vmem>>) target(%dma_start3A_70 : memref<64x128xf32, #tpu.memory_space<hbm>>) target_semaphore(%arg16 : memref<!tpu.dma_semaphore, #tpu.memory_space<semaphore_mem>>)
    %dma_wait3A_71 = arith.constant 64 : i32
    %dma_wait3A_72 = tpu.memref_slice %arg7[%dma_wait3A_71] : memref<128xi32, #tpu.memory_space<vmem>> -> memref<64xi32, #tpu.memory_space<vmem>>
    %dma_wait3A_73 = arith.constant 0 : i32
    %dma_wait3A_74 = arith.constant 0 : i32
    %dma_wait3A_75 = tpu.memref_slice %arg3[%dma_wait3A_73, %dma_wait3A_74] : memref<65536x768xf32, #tpu.memory_space<hbm>> -> memref<65536x768xf32, #tpu.memory_space<hbm>>
    tpu.wait_indirect_dma semaphore(%arg13 : memref<!tpu.dma_semaphore, #tpu.memory_space<semaphore_mem>>) src(%dma_wait3A_75 : memref<65536x768xf32, #tpu.memory_space<hbm>>) dst(%arg9 : memref<64x768xf32, #tpu.memory_space<vmem>>)
    %dma_wait3A_76 = arith.constant 64 : i32
    %dma_wait3A_77 = tpu.memref_slice %arg7[%dma_wait3A_76] : memref<128xi32, #tpu.memory_space<vmem>> -> memref<64xi32, #tpu.memory_space<vmem>>
    %dma_wait3A_78 = arith.constant 0 : i32
    %dma_wait3A_79 = arith.constant 0 : i32
    %dma_wait3A_80 = tpu.memref_slice %arg4[%dma_wait3A_78, %dma_wait3A_79] : memref<65536x128xf32, #tpu.memory_space<hbm>> -> memref<65536x128xf32, #tpu.memory_space<hbm>>
    tpu.wait_indirect_dma semaphore(%arg15 : memref<!tpu.dma_semaphore, #tpu.memory_space<semaphore_mem>>) src(%dma_wait3A_80 : memref<65536x128xf32, #tpu.memory_space<hbm>>) dst(%arg11 : memref<64x128xf32, #tpu.memory_space<vmem>>)
    %add3A_81 = arith.constant 64 : i32
    %add3A_82 = arith.addi %mul3A_2, %add3A_81 : i32
    %dma_start3A_83 = arith.constant 0 : i32
    %dma_start3A_84 = tpu.memref_slice %arg5[%add3A_82, %dma_start3A_83] : memref<4096x768xf32, #tpu.memory_space<hbm>> -> memref<64x768xf32, #tpu.memory_space<hbm>>
    %dma_start3A_85 = arith.constant 0 : i32
    %dma_start3A_86 = tpu.memref_slice %arg5[%add3A_82, %dma_start3A_85] : memref<4096x768xf32, #tpu.memory_space<hbm>> -> memref<64x768xf32, #tpu.memory_space<hbm>>
    tpu.enqueue_dma source(%arg9 : memref<64x768xf32, #tpu.memory_space<vmem>>) target(%dma_start3A_86 : memref<64x768xf32, #tpu.memory_space<hbm>>) target_semaphore(%arg17 : memref<!tpu.dma_semaphore, #tpu.memory_space<semaphore_mem>>)
    %dma_start3A_87 = arith.constant 0 : i32
    %dma_start3A_88 = tpu.memref_slice %arg6[%add3A_82, %dma_start3A_87] : memref<4096x128xf32, #tpu.memory_space<hbm>> -> memref<64x128xf32, #tpu.memory_space<hbm>>
    %dma_start3A_89 = arith.constant 0 : i32
    %dma_start3A_90 = tpu.memref_slice %arg6[%add3A_82, %dma_start3A_89] : memref<4096x128xf32, #tpu.memory_space<hbm>> -> memref<64x128xf32, #tpu.memory_space<hbm>>
    tpu.enqueue_dma source(%arg11 : memref<64x128xf32, #tpu.memory_space<vmem>>) target(%dma_start3A_90 : memref<64x128xf32, #tpu.memory_space<hbm>>) target_semaphore(%arg17 : memref<!tpu.dma_semaphore, #tpu.memory_space<semaphore_mem>>)
    %dma_wait3A_91 = arith.constant 0 : i32
    %dma_wait3A_92 = tpu.memref_slice %arg5[%add3A_62, %dma_wait3A_91] : memref<4096x768xf32, #tpu.memory_space<hbm>> -> memref<64x768xf32, #tpu.memory_space<hbm>>
    %dma_wait3A_93 = arith.constant 0 : i32
    %dma_wait3A_94 = tpu.memref_slice %arg5[%add3A_62, %dma_wait3A_93] : memref<4096x768xf32, #tpu.memory_space<hbm>> -> memref<64x768xf32, #tpu.memory_space<hbm>>
    tpu.wait_dma2 semaphore(%arg16 : memref<!tpu.dma_semaphore, #tpu.memory_space<semaphore_mem>>) src(%arg8 : memref<64x768xf32, #tpu.memory_space<vmem>>) dst(%dma_wait3A_94 : memref<64x768xf32, #tpu.memory_space<hbm>>)
    %dma_wait3A_95 = arith.constant 0 : i32
    %dma_wait3A_96 = tpu.memref_slice %arg6[%add3A_62, %dma_wait3A_95] : memref<4096x128xf32, #tpu.memory_space<hbm>> -> memref<64x128xf32, #tpu.memory_space<hbm>>
    %dma_wait3A_97 = arith.constant 0 : i32
    %dma_wait3A_98 = tpu.memref_slice %arg6[%add3A_62, %dma_wait3A_97] : memref<4096x128xf32, #tpu.memory_space<hbm>> -> memref<64x128xf32, #tpu.memory_space<hbm>>
    tpu.wait_dma2 semaphore(%arg16 : memref<!tpu.dma_semaphore, #tpu.memory_space<semaphore_mem>>) src(%arg10 : memref<64x128xf32, #tpu.memory_space<vmem>>) dst(%dma_wait3A_98 : memref<64x128xf32, #tpu.memory_space<hbm>>)
    %dma_wait3A_99 = arith.constant 0 : i32
    %dma_wait3A_100 = tpu.memref_slice %arg5[%add3A_82, %dma_wait3A_99] : memref<4096x768xf32, #tpu.memory_space<hbm>> -> memref<64x768xf32, #tpu.memory_space<hbm>>
    %dma_wait3A_101 = arith.constant 0 : i32
    %dma_wait3A_102 = tpu.memref_slice %arg5[%add3A_82, %dma_wait3A_101] : memref<4096x768xf32, #tpu.memory_space<hbm>> -> memref<64x768xf32, #tpu.memory_space<hbm>>
    tpu.wait_dma2 semaphore(%arg17 : memref<!tpu.dma_semaphore, #tpu.memory_space<semaphore_mem>>) src(%arg9 : memref<64x768xf32, #tpu.memory_space<vmem>>) dst(%dma_wait3A_102 : memref<64x768xf32, #tpu.memory_space<hbm>>)
    %dma_wait3A_103 = arith.constant 0 : i32
    %dma_wait3A_104 = tpu.memref_slice %arg6[%add3A_82, %dma_wait3A_103] : memref<4096x128xf32, #tpu.memory_space<hbm>> -> memref<64x128xf32, #tpu.memory_space<hbm>>
    %dma_wait3A_105 = arith.constant 0 : i32
    %dma_wait3A_106 = tpu.memref_slice %arg6[%add3A_82, %dma_wait3A_105] : memref<4096x128xf32, #tpu.memory_space<hbm>> -> memref<64x128xf32, #tpu.memory_space<hbm>>
    tpu.wait_dma2 semaphore(%arg17 : memref<!tpu.dma_semaphore, #tpu.memory_space<semaphore_mem>>) src(%arg11 : memref<64x128xf32, #tpu.memory_space<vmem>>) dst(%dma_wait3A_106 : memref<64x128xf32, #tpu.memory_space<hbm>>)
    return
  }
}

module attributes {stable_mosaic.version = 14 : i64} {
  func.func @_head_body(%arg0: i32, %arg1: memref<1024x768xf32, #tpu.memory_space<vmem>>, %arg2: memref<1024x1xf32, #tpu.memory_space<vmem>>, %arg3: memref<768x128xf32, #tpu.memory_space<vmem>>, %arg4: memref<128xf32, #tpu.memory_space<vmem>>, %arg5: memref<128x128xf32, #tpu.memory_space<vmem>>, %arg6: memref<8x128xf32, #tpu.memory_space<vmem>>, %arg7: memref<128xf32, #tpu.memory_space<vmem>>, %arg8: memref<128x16xf32, #tpu.memory_space<vmem>>, %arg9: memref<45x8xf32, #tpu.memory_space<vmem>>, %arg10: memref<1024x128xf32, #tpu.memory_space<vmem>>, %arg11: memref<8x128xi32, #tpu.memory_space<vmem>>) attributes {dimension_semantics = [#tpu.dimension_semantics<arbitrary>], iteration_bounds = array<i64: 4>, scalar_prefetch = 0 : i64, scratch_operands = 0 : i64, tpu.core_type = #tpu.core_type<tc>, window_params = [{transform_indices = @transform_0, window_bounds = array<i64: 1024, 768>}, {transform_indices = @transform_1, window_bounds = array<i64: 1024, 1>}, {pipeline_mode = #tpu.pipeline_mode<synchronous>, transform_indices = @transform_2, window_bounds = array<i64: 768, 128>}, {pipeline_mode = #tpu.pipeline_mode<synchronous>, transform_indices = @transform_3, window_bounds = array<i64: 128>}, {transform_indices = @transform_4, window_bounds = array<i64: 128, 128>}, {transform_indices = @transform_5, window_bounds = array<i64: 8, 128>}, {pipeline_mode = #tpu.pipeline_mode<synchronous>, transform_indices = @transform_6, window_bounds = array<i64: 128>}, {pipeline_mode = #tpu.pipeline_mode<synchronous>, transform_indices = @transform_7, window_bounds = array<i64: 128, 16>}, {pipeline_mode = #tpu.pipeline_mode<synchronous>, transform_indices = @transform_8, window_bounds = array<i64: 45, 8>}, {transform_indices = @transform_9, window_bounds = array<i64: 1024, 128>}, {transform_indices = @transform_10, window_bounds = array<i64: 8, 128>}]} {
    %get3A = arith.constant 0 : index
    %get3A_0 = arith.constant 0 : index
    %get3A_1 = vector.load %arg1[%get3A, %get3A_0] : memref<1024x768xf32, #tpu.memory_space<vmem>>, vector<1024x768xf32>
    %get3A_2 = arith.constant 0 : index
    %get3A_3 = arith.constant 0 : index
    %get3A_4 = vector.load %arg2[%get3A_2, %get3A_3] : memref<1024x1xf32, #tpu.memory_space<vmem>>, vector<1024x1xf32>
    %get3A_5 = arith.constant 0 : index
    %get3A_6 = arith.constant 0 : index
    %get3A_7 = vector.load %arg3[%get3A_5, %get3A_6] : memref<768x128xf32, #tpu.memory_space<vmem>>, vector<768x128xf32>
    %dot_general3A = arith.constant dense<0.000000e+00> : vector<1024x128xf32>
    %dot_general3A_8 = tpu.matmul %get3A_1, %get3A_7, %dot_general3A {dimension_numbers = #tpu.dot_dimension_numbers<[1], [0], [0], [1], [0, 0, 1, 1], [], []>, transpose_lhs_hint = false} : vector<1024x768xf32>, vector<768x128xf32>, vector<1024x128xf32> -> vector<1024x128xf32>
    %get3A_9 = arith.constant 0 : index
    %get3A_10 = vector.load %arg4[%get3A_9] : memref<128xf32, #tpu.memory_space<vmem>>, vector<128xf32>
    %broadcast_in_dim3A = vector.shape_cast %get3A_10 : vector<128xf32> to vector<1x128xf32>
    %add3A = vector.broadcast %broadcast_in_dim3A : vector<1x128xf32> to vector<1024x128xf32>
    %add3A_11 = arith.addf %dot_general3A_8, %add3A : vector<1024x128xf32>
    %div3A = arith.constant 4.500000e+01 : f32
    %div3A_12 = vector.broadcast %div3A : f32 to vector<1024x1xf32>
    %div3A_13 = arith.divf %get3A_4, %div3A_12 : vector<1024x1xf32>
    %floor3A = math.floor %div3A_13 : vector<1024x1xf32>
    %mul3A = arith.constant 4.500000e+01 : f32
    %mul3A_14 = vector.broadcast %mul3A : f32 to vector<1024x1xf32>
    %mul3A_15 = arith.mulf %mul3A_14, %floor3A : vector<1024x1xf32>
    %sub3A = arith.subf %get3A_4, %mul3A_15 : vector<1024x1xf32>
    %iota3A = tpu.iota {dimensions = array<i32: 1>} : vector<1024x45xi32>
    %convert_element_type3A = arith.fptosi %sub3A : vector<1024x1xf32> to vector<1024x1xi32>
    %eq3A = vector.broadcast %convert_element_type3A : vector<1024x1xi32> to vector<1024x45xi32>
    %eq3A_16 = arith.cmpi eq, %iota3A, %eq3A : vector<1024x45xi32>
    %convert_element_type3A_17 = arith.extui %eq3A_16 : vector<1024x45xi1> to vector<1024x45xi32>
    %convert_element_type3A_18 = arith.sitofp %convert_element_type3A_17 : vector<1024x45xi32> to vector<1024x45xf32>
    %get3A_19 = arith.constant 0 : index
    %get3A_20 = arith.constant 0 : index
    %get3A_21 = vector.load %arg9[%get3A_19, %get3A_20] : memref<45x8xf32, #tpu.memory_space<vmem>>, vector<45x8xf32>
    %get3A_22 = arith.constant 0 : index
    %get3A_23 = arith.constant 0 : index
    %get3A_24 = vector.load %arg6[%get3A_22, %get3A_23] : memref<8x128xf32, #tpu.memory_space<vmem>>, vector<8x128xf32>
    %dot_general3A_25 = arith.constant dense<0.000000e+00> : vector<45x128xf32>
    %dot_general3A_26 = tpu.matmul %get3A_21, %get3A_24, %dot_general3A_25 {dimension_numbers = #tpu.dot_dimension_numbers<[1], [0], [0], [1], [0, 0, 1, 1], [], []>, transpose_lhs_hint = false} : vector<45x8xf32>, vector<8x128xf32>, vector<45x128xf32> -> vector<45x128xf32>
    %get3A_27 = arith.constant 0 : index
    %get3A_28 = arith.constant 0 : index
    %get3A_29 = vector.load %arg5[%get3A_27, %get3A_28] : memref<128x128xf32, #tpu.memory_space<vmem>>, vector<128x128xf32>
    %dot_general3A_30 = arith.constant dense<0.000000e+00> : vector<1024x128xf32>
    %dot_general3A_31 = tpu.matmul %add3A_11, %get3A_29, %dot_general3A_30 {dimension_numbers = #tpu.dot_dimension_numbers<[1], [0], [0], [1], [0, 0, 1, 1], [], []>, transpose_lhs_hint = false} : vector<1024x128xf32>, vector<128x128xf32>, vector<1024x128xf32> -> vector<1024x128xf32>
    %dot_general3A_32 = arith.constant dense<0.000000e+00> : vector<1024x128xf32>
    %dot_general3A_33 = tpu.matmul %convert_element_type3A_18, %dot_general3A_26, %dot_general3A_32 {dimension_numbers = #tpu.dot_dimension_numbers<[1], [0], [0], [1], [0, 0, 1, 1], [], []>, transpose_lhs_hint = false} : vector<1024x45xf32>, vector<45x128xf32>, vector<1024x128xf32> -> vector<1024x128xf32>
    %add3A_34 = arith.addf %dot_general3A_31, %dot_general3A_33 : vector<1024x128xf32>
    %get3A_35 = arith.constant 0 : index
    %get3A_36 = vector.load %arg7[%get3A_35] : memref<128xf32, #tpu.memory_space<vmem>>, vector<128xf32>
    %broadcast_in_dim3A_37 = vector.shape_cast %get3A_36 : vector<128xf32> to vector<1x128xf32>
    %add3A_38 = vector.broadcast %broadcast_in_dim3A_37 : vector<1x128xf32> to vector<1024x128xf32>
    %add3A_39 = arith.addf %add3A_34, %add3A_38 : vector<1024x128xf32>
    %swap3A = arith.constant 0 : index
    %swap3A_40 = arith.constant 0 : index
    %swap3A_41 = vector.load %arg10[%swap3A, %swap3A_40] : memref<1024x128xf32, #tpu.memory_space<vmem>>, vector<1024x128xf32>
    tpu.vector_store %arg10[%swap3A, %swap3A_40], %add3A_39 {strides = array<i32>} : memref<1024x128xf32, #tpu.memory_space<vmem>>, vector<1024x128xf32>,
    %get3A_42 = arith.constant 0 : index
    %get3A_43 = arith.constant 0 : index
    %get3A_44 = vector.load %arg8[%get3A_42, %get3A_43] : memref<128x16xf32, #tpu.memory_space<vmem>>, vector<128x16xf32>
    %dot_general3A_45 = arith.constant dense<0.000000e+00> : vector<1024x16xf32>
    %dot_general3A_46 = tpu.matmul %add3A_39, %get3A_44, %dot_general3A_45 {dimension_numbers = #tpu.dot_dimension_numbers<[1], [0], [0], [1], [0, 0, 1, 1], [], []>, transpose_lhs_hint = false} : vector<1024x128xf32>, vector<128x16xf32>, vector<1024x16xf32> -> vector<1024x16xf32>
    %iota3A_47 = tpu.iota {dimensions = array<i32: 1>} : vector<1x16xi32>
    %iota3A_48 = vector.shape_cast %iota3A_47 : vector<1x16xi32> to vector<16xi32>
    %shift_left3A = arith.constant 1 : i32
    %shift_left3A_49 = vector.broadcast %shift_left3A : i32 to vector<16xi32>
    %shift_left3A_50 = arith.shli %shift_left3A_49, %iota3A_48 : vector<16xi32>
    %broadcast_in_dim3A_51 = vector.shape_cast %shift_left3A_50 : vector<16xi32> to vector<1x16xi32>
    %gt3A = arith.constant 0.000000e+00 : f32
    %gt3A_52 = vector.broadcast %gt3A : f32 to vector<1024x16xf32>
    %gt3A_53 = arith.cmpf ogt, %dot_general3A_46, %gt3A_52 : vector<1024x16xf32>
    %convert_element_type3A_54 = arith.extui %gt3A_53 : vector<1024x16xi1> to vector<1024x16xi32>
    %mul3A_55 = vector.broadcast %broadcast_in_dim3A_51 : vector<1x16xi32> to vector<1024x16xi32>
    %mul3A_56 = arith.muli %convert_element_type3A_54, %mul3A_55 : vector<1024x16xi32>
    %reduce_sum3A = arith.constant dense<0> : vector<1024xi32>
    %reduce_sum3A_57 = vector.multi_reduction <add>, %mul3A_56, %reduce_sum3A [1] : vector<1024x16xi32> to vector<1024xi32>
    %broadcast_in_dim3A_58 = vector.shape_cast %reduce_sum3A_57 : vector<1024xi32> to vector<1024x1xi32>
    %reshape3A = vector.shape_cast %broadcast_in_dim3A_58 : vector<1024x1xi32> to vector<8x128xi32>
    %swap3A_59 = arith.constant 0 : index
    %swap3A_60 = arith.constant 0 : index
    %swap3A_61 = vector.load %arg11[%swap3A_59, %swap3A_60] : memref<8x128xi32, #tpu.memory_space<vmem>>, vector<8x128xi32>
    tpu.vector_store %arg11[%swap3A_59, %swap3A_60], %reshape3A {strides = array<i32>} : memref<8x128xi32, #tpu.memory_space<vmem>>, vector<8x128xi32>,
    return
  }
  func.func @transform_0(%arg0: i32) -> (i32, i32) {
    %add3A = arith.constant 0 : i32
    %add3A_0 = arith.addi %arg0, %add3A : i32
    %c0_i32 = arith.constant 0 : i32
    %c0_i32_1 = arith.constant 0 : i32
    return %add3A_0, %c0_i32 : i32, i32
  }
  func.func @transform_1(%arg0: i32) -> (i32, i32) {
    %add3A = arith.constant 0 : i32
    %add3A_0 = arith.addi %arg0, %add3A : i32
    %c0_i32 = arith.constant 0 : i32
    %c0_i32_1 = arith.constant 0 : i32
    return %add3A_0, %c0_i32 : i32, i32
  }
  func.func @transform_2(%arg0: i32) -> (i32, i32) {
    %c0_i32 = arith.constant 0 : i32
    %c0_i32_0 = arith.constant 0 : i32
    %c0_i32_1 = arith.constant 0 : i32
    return %c0_i32, %c0_i32_0 : i32, i32
  }
  func.func @transform_3(%arg0: i32) -> i32 {
    %c0_i32 = arith.constant 0 : i32
    %c0_i32_0 = arith.constant 0 : i32
    return %c0_i32 : i32
  }
  func.func @transform_4(%arg0: i32) -> (i32, i32) {
    %c0_i32 = arith.constant 0 : i32
    %c0_i32_0 = arith.constant 0 : i32
    %c0_i32_1 = arith.constant 0 : i32
    return %c0_i32, %c0_i32_0 : i32, i32
  }
  func.func @transform_5(%arg0: i32) -> (i32, i32) {
    %c16_i32 = arith.constant 16 : i32
    %c0_i32 = arith.constant 0 : i32
    %c0_i32_0 = arith.constant 0 : i32
    return %c16_i32, %c0_i32 : i32, i32
  }
  func.func @transform_6(%arg0: i32) -> i32 {
    %c0_i32 = arith.constant 0 : i32
    %c0_i32_0 = arith.constant 0 : i32
    return %c0_i32 : i32
  }
  func.func @transform_7(%arg0: i32) -> (i32, i32) {
    %c0_i32 = arith.constant 0 : i32
    %c0_i32_0 = arith.constant 0 : i32
    %c0_i32_1 = arith.constant 0 : i32
    return %c0_i32, %c0_i32_0 : i32, i32
  }
  func.func @transform_8(%arg0: i32) -> (i32, i32) {
    %c0_i32 = arith.constant 0 : i32
    %c0_i32_0 = arith.constant 0 : i32
    %c0_i32_1 = arith.constant 0 : i32
    return %c0_i32, %c0_i32_0 : i32, i32
  }
  func.func @transform_9(%arg0: i32) -> (i32, i32) {
    %c0_i32 = arith.constant 0 : i32
    %c0_i32_0 = arith.constant 0 : i32
    return %arg0, %c0_i32 : i32, i32
  }
  func.func @transform_10(%arg0: i32) -> (i32, i32) {
    %c0_i32 = arith.constant 0 : i32
    %c0_i32_0 = arith.constant 0 : i32
    return %arg0, %c0_i32 : i32, i32
  }
}

module attributes {stable_mosaic.version = 14 : i64} {
  func.func @_head_body(%arg0: i32, %arg1: memref<1024x768xf32, #tpu.memory_space<vmem>>, %arg2: memref<1024x1xf32, #tpu.memory_space<vmem>>, %arg3: memref<768x128xf32, #tpu.memory_space<vmem>>, %arg4: memref<128xf32, #tpu.memory_space<vmem>>, %arg5: memref<128x128xf32, #tpu.memory_space<vmem>>, %arg6: memref<8x128xf32, #tpu.memory_space<vmem>>, %arg7: memref<128xf32, #tpu.memory_space<vmem>>, %arg8: memref<128x16xf32, #tpu.memory_space<vmem>>, %arg9: memref<45x8xf32, #tpu.memory_space<vmem>>, %arg10: memref<1024x128xf32, #tpu.memory_space<vmem>>, %arg11: memref<8x128xi32, #tpu.memory_space<vmem>>) attributes {dimension_semantics = [#tpu.dimension_semantics<arbitrary>], iteration_bounds = array<i64: 4>, scalar_prefetch = 0 : i64, scratch_operands = 0 : i64, tpu.core_type = #tpu.core_type<tc>, window_params = [{transform_indices = @transform_0, window_bounds = array<i64: 1024, 768>}, {transform_indices = @transform_1, window_bounds = array<i64: 1024, 1>}, {pipeline_mode = #tpu.pipeline_mode<synchronous>, transform_indices = @transform_2, window_bounds = array<i64: 768, 128>}, {pipeline_mode = #tpu.pipeline_mode<synchronous>, transform_indices = @transform_3, window_bounds = array<i64: 128>}, {transform_indices = @transform_4, window_bounds = array<i64: 128, 128>}, {transform_indices = @transform_5, window_bounds = array<i64: 8, 128>}, {pipeline_mode = #tpu.pipeline_mode<synchronous>, transform_indices = @transform_6, window_bounds = array<i64: 128>}, {pipeline_mode = #tpu.pipeline_mode<synchronous>, transform_indices = @transform_7, window_bounds = array<i64: 128, 16>}, {pipeline_mode = #tpu.pipeline_mode<synchronous>, transform_indices = @transform_8, window_bounds = array<i64: 45, 8>}, {transform_indices = @transform_9, window_bounds = array<i64: 1024, 128>}, {transform_indices = @transform_10, window_bounds = array<i64: 8, 128>}]} {
    %get3A = arith.constant 0 : index
    %get3A_0 = arith.constant 0 : index
    %get3A_1 = vector.load %arg1[%get3A, %get3A_0] : memref<1024x768xf32, #tpu.memory_space<vmem>>, vector<1024x768xf32>
    %get3A_2 = arith.constant 0 : index
    %get3A_3 = arith.constant 0 : index
    %get3A_4 = vector.load %arg2[%get3A_2, %get3A_3] : memref<1024x1xf32, #tpu.memory_space<vmem>>, vector<1024x1xf32>
    %get3A_5 = arith.constant 0 : index
    %get3A_6 = arith.constant 0 : index
    %get3A_7 = vector.load %arg3[%get3A_5, %get3A_6] : memref<768x128xf32, #tpu.memory_space<vmem>>, vector<768x128xf32>
    %dot_general3A = arith.constant dense<0.000000e+00> : vector<1024x128xf32>
    %dot_general3A_8 = tpu.matmul %get3A_1, %get3A_7, %dot_general3A {dimension_numbers = #tpu.dot_dimension_numbers<[1], [0], [0], [1], [0, 0, 1, 1], [], []>, transpose_lhs_hint = false} : vector<1024x768xf32>, vector<768x128xf32>, vector<1024x128xf32> -> vector<1024x128xf32>
    %get3A_9 = arith.constant 0 : index
    %get3A_10 = vector.load %arg4[%get3A_9] : memref<128xf32, #tpu.memory_space<vmem>>, vector<128xf32>
    %broadcast_in_dim3A = vector.shape_cast %get3A_10 : vector<128xf32> to vector<1x128xf32>
    %add3A = vector.broadcast %broadcast_in_dim3A : vector<1x128xf32> to vector<1024x128xf32>
    %add3A_11 = arith.addf %dot_general3A_8, %add3A : vector<1024x128xf32>
    %div3A = arith.constant 4.500000e+01 : f32
    %div3A_12 = vector.broadcast %div3A : f32 to vector<1024x1xf32>
    %div3A_13 = arith.divf %get3A_4, %div3A_12 : vector<1024x1xf32>
    %floor3A = math.floor %div3A_13 : vector<1024x1xf32>
    %mul3A = arith.constant 4.500000e+01 : f32
    %mul3A_14 = vector.broadcast %mul3A : f32 to vector<1024x1xf32>
    %mul3A_15 = arith.mulf %mul3A_14, %floor3A : vector<1024x1xf32>
    %sub3A = arith.subf %get3A_4, %mul3A_15 : vector<1024x1xf32>
    %iota3A = tpu.iota {dimensions = array<i32: 1>} : vector<1024x45xi32>
    %convert_element_type3A = arith.fptosi %sub3A : vector<1024x1xf32> to vector<1024x1xi32>
    %eq3A = vector.broadcast %convert_element_type3A : vector<1024x1xi32> to vector<1024x45xi32>
    %eq3A_16 = arith.cmpi eq, %iota3A, %eq3A : vector<1024x45xi32>
    %convert_element_type3A_17 = arith.extui %eq3A_16 : vector<1024x45xi1> to vector<1024x45xi32>
    %convert_element_type3A_18 = arith.sitofp %convert_element_type3A_17 : vector<1024x45xi32> to vector<1024x45xf32>
    %get3A_19 = arith.constant 0 : index
    %get3A_20 = arith.constant 0 : index
    %get3A_21 = vector.load %arg9[%get3A_19, %get3A_20] : memref<45x8xf32, #tpu.memory_space<vmem>>, vector<45x8xf32>
    %get3A_22 = arith.constant 0 : index
    %get3A_23 = arith.constant 0 : index
    %get3A_24 = vector.load %arg6[%get3A_22, %get3A_23] : memref<8x128xf32, #tpu.memory_space<vmem>>, vector<8x128xf32>
    %dot_general3A_25 = arith.constant dense<0.000000e+00> : vector<45x128xf32>
    %dot_general3A_26 = tpu.matmul %get3A_21, %get3A_24, %dot_general3A_25 {dimension_numbers = #tpu.dot_dimension_numbers<[1], [0], [0], [1], [0, 0, 1, 1], [], []>, transpose_lhs_hint = false} : vector<45x8xf32>, vector<8x128xf32>, vector<45x128xf32> -> vector<45x128xf32>
    %get3A_27 = arith.constant 0 : index
    %get3A_28 = arith.constant 0 : index
    %get3A_29 = vector.load %arg5[%get3A_27, %get3A_28] : memref<128x128xf32, #tpu.memory_space<vmem>>, vector<128x128xf32>
    %dot_general3A_30 = arith.constant dense<0.000000e+00> : vector<1024x128xf32>
    %dot_general3A_31 = tpu.matmul %add3A_11, %get3A_29, %dot_general3A_30 {dimension_numbers = #tpu.dot_dimension_numbers<[1], [0], [0], [1], [0, 0, 1, 1], [], []>, transpose_lhs_hint = false} : vector<1024x128xf32>, vector<128x128xf32>, vector<1024x128xf32> -> vector<1024x128xf32>
    %dot_general3A_32 = arith.constant dense<0.000000e+00> : vector<1024x128xf32>
    %dot_general3A_33 = tpu.matmul %convert_element_type3A_18, %dot_general3A_26, %dot_general3A_32 {dimension_numbers = #tpu.dot_dimension_numbers<[1], [0], [0], [1], [0, 0, 1, 1], [], []>, transpose_lhs_hint = false} : vector<1024x45xf32>, vector<45x128xf32>, vector<1024x128xf32> -> vector<1024x128xf32>
    %add3A_34 = arith.addf %dot_general3A_31, %dot_general3A_33 : vector<1024x128xf32>
    %get3A_35 = arith.constant 0 : index
    %get3A_36 = vector.load %arg7[%get3A_35] : memref<128xf32, #tpu.memory_space<vmem>>, vector<128xf32>
    %broadcast_in_dim3A_37 = vector.shape_cast %get3A_36 : vector<128xf32> to vector<1x128xf32>
    %add3A_38 = vector.broadcast %broadcast_in_dim3A_37 : vector<1x128xf32> to vector<1024x128xf32>
    %add3A_39 = arith.addf %add3A_34, %add3A_38 : vector<1024x128xf32>
    %swap3A = arith.constant 0 : index
    %swap3A_40 = arith.constant 0 : index
    %swap3A_41 = vector.load %arg10[%swap3A, %swap3A_40] : memref<1024x128xf32, #tpu.memory_space<vmem>>, vector<1024x128xf32>
    tpu.vector_store %arg10[%swap3A, %swap3A_40], %add3A_39 {strides = array<i32>} : memref<1024x128xf32, #tpu.memory_space<vmem>>, vector<1024x128xf32>,
    %get3A_42 = arith.constant 0 : index
    %get3A_43 = arith.constant 0 : index
    %get3A_44 = vector.load %arg8[%get3A_42, %get3A_43] : memref<128x16xf32, #tpu.memory_space<vmem>>, vector<128x16xf32>
    %dot_general3A_45 = arith.constant dense<0.000000e+00> : vector<1024x16xf32>
    %dot_general3A_46 = tpu.matmul %add3A_39, %get3A_44, %dot_general3A_45 {dimension_numbers = #tpu.dot_dimension_numbers<[1], [0], [0], [1], [0, 0, 1, 1], [], []>, transpose_lhs_hint = false} : vector<1024x128xf32>, vector<128x16xf32>, vector<1024x16xf32> -> vector<1024x16xf32>
    %iota3A_47 = tpu.iota {dimensions = array<i32: 1>} : vector<1x16xi32>
    %iota3A_48 = vector.shape_cast %iota3A_47 : vector<1x16xi32> to vector<16xi32>
    %shift_left3A = arith.constant 1 : i32
    %shift_left3A_49 = vector.broadcast %shift_left3A : i32 to vector<16xi32>
    %shift_left3A_50 = arith.shli %shift_left3A_49, %iota3A_48 : vector<16xi32>
    %broadcast_in_dim3A_51 = vector.shape_cast %shift_left3A_50 : vector<16xi32> to vector<1x16xi32>
    %gt3A = arith.constant 0.000000e+00 : f32
    %gt3A_52 = vector.broadcast %gt3A : f32 to vector<1024x16xf32>
    %gt3A_53 = arith.cmpf ogt, %dot_general3A_46, %gt3A_52 : vector<1024x16xf32>
    %convert_element_type3A_54 = arith.extui %gt3A_53 : vector<1024x16xi1> to vector<1024x16xi32>
    %mul3A_55 = vector.broadcast %broadcast_in_dim3A_51 : vector<1x16xi32> to vector<1024x16xi32>
    %mul3A_56 = arith.muli %convert_element_type3A_54, %mul3A_55 : vector<1024x16xi32>
    %reduce_sum3A = arith.constant dense<0> : vector<1024xi32>
    %reduce_sum3A_57 = vector.multi_reduction <add>, %mul3A_56, %reduce_sum3A [1] : vector<1024x16xi32> to vector<1024xi32>
    %broadcast_in_dim3A_58 = vector.shape_cast %reduce_sum3A_57 : vector<1024xi32> to vector<1024x1xi32>
    %reshape3A = vector.shape_cast %broadcast_in_dim3A_58 : vector<1024x1xi32> to vector<8x128xi32>
    %swap3A_59 = arith.constant 0 : index
    %swap3A_60 = arith.constant 0 : index
    %swap3A_61 = vector.load %arg11[%swap3A_59, %swap3A_60] : memref<8x128xi32, #tpu.memory_space<vmem>>, vector<8x128xi32>
    tpu.vector_store %arg11[%swap3A_59, %swap3A_60], %reshape3A {strides = array<i32>} : memref<8x128xi32, #tpu.memory_space<vmem>>, vector<8x128xi32>,
    return
  }
  func.func @transform_0(%arg0: i32) -> (i32, i32) {
    %add3A = arith.constant 4 : i32
    %add3A_0 = arith.addi %arg0, %add3A : i32
    %c0_i32 = arith.constant 0 : i32
    %c0_i32_1 = arith.constant 0 : i32
    return %add3A_0, %c0_i32 : i32, i32
  }
  func.func @transform_1(%arg0: i32) -> (i32, i32) {
    %add3A = arith.constant 4 : i32
    %add3A_0 = arith.addi %arg0, %add3A : i32
    %c0_i32 = arith.constant 0 : i32
    %c0_i32_1 = arith.constant 0 : i32
    return %add3A_0, %c0_i32 : i32, i32
  }
  func.func @transform_2(%arg0: i32) -> (i32, i32) {
    %c0_i32 = arith.constant 0 : i32
    %c0_i32_0 = arith.constant 0 : i32
    %c0_i32_1 = arith.constant 0 : i32
    return %c0_i32, %c0_i32_0 : i32, i32
  }
  func.func @transform_3(%arg0: i32) -> i32 {
    %c0_i32 = arith.constant 0 : i32
    %c0_i32_0 = arith.constant 0 : i32
    return %c0_i32 : i32
  }
  func.func @transform_4(%arg0: i32) -> (i32, i32) {
    %c0_i32 = arith.constant 0 : i32
    %c0_i32_0 = arith.constant 0 : i32
    %c0_i32_1 = arith.constant 0 : i32
    return %c0_i32, %c0_i32_0 : i32, i32
  }
  func.func @transform_5(%arg0: i32) -> (i32, i32) {
    %c16_i32 = arith.constant 16 : i32
    %c0_i32 = arith.constant 0 : i32
    %c0_i32_0 = arith.constant 0 : i32
    return %c16_i32, %c0_i32 : i32, i32
  }
  func.func @transform_6(%arg0: i32) -> i32 {
    %c0_i32 = arith.constant 0 : i32
    %c0_i32_0 = arith.constant 0 : i32
    return %c0_i32 : i32
  }
  func.func @transform_7(%arg0: i32) -> (i32, i32) {
    %c0_i32 = arith.constant 0 : i32
    %c0_i32_0 = arith.constant 0 : i32
    %c0_i32_1 = arith.constant 0 : i32
    return %c0_i32, %c0_i32_0 : i32, i32
  }
  func.func @transform_8(%arg0: i32) -> (i32, i32) {
    %c0_i32 = arith.constant 0 : i32
    %c0_i32_0 = arith.constant 0 : i32
    %c0_i32_1 = arith.constant 0 : i32
    return %c0_i32, %c0_i32_0 : i32, i32
  }
  func.func @transform_9(%arg0: i32) -> (i32, i32) {
    %c0_i32 = arith.constant 0 : i32
    %c0_i32_0 = arith.constant 0 : i32
    return %arg0, %c0_i32 : i32, i32
  }
  func.func @transform_10(%arg0: i32) -> (i32, i32) {
    %c0_i32 = arith.constant 0 : i32
    %c0_i32_0 = arith.constant 0 : i32
    return %arg0, %c0_i32 : i32, i32
  }
}

module attributes {stable_mosaic.version = 14 : i64} {
  func.func @_tail_body(%arg0: i32, %arg1: memref<512x768xf32, #tpu.memory_space<vmem>>, %arg2: memref<512x768xf32, #tpu.memory_space<vmem>>, %arg3: memref<512x128xf32, #tpu.memory_space<vmem>>, %arg4: memref<512x128xf32, #tpu.memory_space<vmem>>, %arg5: memref<768x768xf32, #tpu.memory_space<vmem>>, %arg6: memref<768x768xf32, #tpu.memory_space<vmem>>, %arg7: memref<8x768xf32, #tpu.memory_space<vmem>>, %arg8: memref<768xf32, #tpu.memory_space<vmem>>, %arg9: memref<768x1xf32, #tpu.memory_space<vmem>>, %arg10: memref<1xf32, #tpu.memory_space<vmem>>, %arg11: memref<768xf32, #tpu.memory_space<vmem>>, %arg12: memref<768xf32, #tpu.memory_space<vmem>>, %arg13: memref<768xf32, #tpu.memory_space<vmem>>, %arg14: memref<768xf32, #tpu.memory_space<vmem>>, %arg15: memref<512x768xf32, #tpu.memory_space<vmem>>, %arg16: memref<1x1xf32, #tpu.memory_space<vmem>>, %arg17: memref<1x1xf32, #tpu.memory_space<vmem>>) attributes {dimension_semantics = [#tpu.dimension_semantics<arbitrary>], iteration_bounds = array<i64: 8>, scalar_prefetch = 0 : i64, scratch_operands = 0 : i64, tpu.core_type = #tpu.core_type<tc>, window_params = [{transform_indices = @transform_0, window_bounds = array<i64: 512, 768>}, {transform_indices = @transform_1, window_bounds = array<i64: 512, 768>}, {transform_indices = @transform_2, window_bounds = array<i64: 512, 128>}, {transform_indices = @transform_3, window_bounds = array<i64: 512, 128>}, {transform_indices = @transform_4, window_bounds = array<i64: 768, 768>}, {transform_indices = @transform_5, window_bounds = array<i64: 768, 768>}, {transform_indices = @transform_6, window_bounds = array<i64: 8, 768>}, {pipeline_mode = #tpu.pipeline_mode<synchronous>, transform_indices = @transform_7, window_bounds = array<i64: 768>}, {pipeline_mode = #tpu.pipeline_mode<synchronous>, transform_indices = @transform_8, window_bounds = array<i64: 768, 1>}, {pipeline_mode = #tpu.pipeline_mode<synchronous>, transform_indices = @transform_9, window_bounds = array<i64: 1>}, {pipeline_mode = #tpu.pipeline_mode<synchronous>, transform_indices = @transform_10, window_bounds = array<i64: 768>}, {pipeline_mode = #tpu.pipeline_mode<synchronous>, transform_indices = @transform_11, window_bounds = array<i64: 768>}, {pipeline_mode = #tpu.pipeline_mode<synchronous>, transform_indices = @transform_12, window_bounds = array<i64: 768>}, {pipeline_mode = #tpu.pipeline_mode<synchronous>, transform_indices = @transform_13, window_bounds = array<i64: 768>}, {transform_indices = @transform_14, window_bounds = array<i64: 512, 768>}, {pipeline_mode = #tpu.pipeline_mode<synchronous>, transform_indices = @transform_15, window_bounds = array<i64: 1, 1>}, {pipeline_mode = #tpu.pipeline_mode<synchronous>, transform_indices = @transform_16, window_bounds = array<i64: 1, 1>}]} {
    %get3A = arith.constant 0 : index
    %get3A_0 = arith.constant 0 : index
    %get3A_1 = vector.load %arg1[%get3A, %get3A_0] : memref<512x768xf32, #tpu.memory_space<vmem>>, vector<512x768xf32>
    %get3A_2 = arith.constant 0 : index
    %get3A_3 = arith.constant 0 : index
    %get3A_4 = vector.load %arg2[%get3A_2, %get3A_3] : memref<512x768xf32, #tpu.memory_space<vmem>>, vector<512x768xf32>
    %get3A_5 = arith.constant 0 : index
    %get3A_6 = vector.load %arg11[%get3A_5] : memref<768xf32, #tpu.memory_space<vmem>>, vector<768xf32>
    %get3A_7 = arith.constant 0 : index
    %get3A_8 = vector.load %arg12[%get3A_7] : memref<768xf32, #tpu.memory_space<vmem>>, vector<768xf32>
    %reduce_sum3A = arith.constant dense<0.000000e+00> : vector<512xf32>
    %reduce_sum3A_9 = vector.multi_reduction <add>, %get3A_1, %reduce_sum3A [1] : vector<512x768xf32> to vector<512xf32>
    %broadcast_in_dim3A = vector.shape_cast %reduce_sum3A_9 : vector<512xf32> to vector<512x1xf32>
    %div3A = arith.constant 7.680000e+02 : f32
    %div3A_10 = vector.broadcast %div3A : f32 to vector<512x1xf32>
    %div3A_11 = arith.divf %broadcast_in_dim3A, %div3A_10 : vector<512x1xf32>
    %sub3A = vector.broadcast %div3A_11 : vector<512x1xf32> to vector<512x768xf32>
    %sub3A_12 = arith.subf %get3A_1, %sub3A : vector<512x768xf32>
    %integer_pow3A = arith.mulf %sub3A_12, %sub3A_12 : vector<512x768xf32>
    %reduce_sum3A_13 = arith.constant dense<0.000000e+00> : vector<512xf32>
    %reduce_sum3A_14 = vector.multi_reduction <add>, %integer_pow3A, %reduce_sum3A_13 [1] : vector<512x768xf32> to vector<512xf32>
    %broadcast_in_dim3A_15 = vector.shape_cast %reduce_sum3A_14 : vector<512xf32> to vector<512x1xf32>
    %div3A_16 = arith.constant 7.680000e+02 : f32
    %div3A_17 = vector.broadcast %div3A_16 : f32 to vector<512x1xf32>
    %div3A_18 = arith.divf %broadcast_in_dim3A_15, %div3A_17 : vector<512x1xf32>
    %sub3A_19 = vector.broadcast %div3A_11 : vector<512x1xf32> to vector<512x768xf32>
    %sub3A_20 = arith.subf %get3A_1, %sub3A_19 : vector<512x768xf32>
    %add3A = arith.constant 9.99999974E-6 : f32
    %add3A_21 = vector.broadcast %add3A : f32 to vector<512x1xf32>
    %add3A_22 = arith.addf %div3A_18, %add3A_21 : vector<512x1xf32>
    %sqrt3A = math.sqrt %add3A_22 : vector<512x1xf32>
    %div3A_23 = vector.broadcast %sqrt3A : vector<512x1xf32> to vector<512x768xf32>
    %div3A_24 = arith.divf %sub3A_20, %div3A_23 : vector<512x768xf32>
    %broadcast_in_dim3A_25 = vector.shape_cast %get3A_6 : vector<768xf32> to vector<1x768xf32>
    %mul3A = vector.broadcast %broadcast_in_dim3A_25 : vector<1x768xf32> to vector<512x768xf32>
    %mul3A_26 = arith.mulf %div3A_24, %mul3A : vector<512x768xf32>
    %broadcast_in_dim3A_27 = vector.shape_cast %get3A_8 : vector<768xf32> to vector<1x768xf32>
    %add3A_28 = vector.broadcast %broadcast_in_dim3A_27 : vector<1x768xf32> to vector<512x768xf32>
    %add3A_29 = arith.addf %mul3A_26, %add3A_28 : vector<512x768xf32>
    %get3A_30 = arith.constant 0 : index
    %get3A_31 = vector.load %arg13[%get3A_30] : memref<768xf32, #tpu.memory_space<vmem>>, vector<768xf32>
    %get3A_32 = arith.constant 0 : index
    %get3A_33 = vector.load %arg14[%get3A_32] : memref<768xf32, #tpu.memory_space<vmem>>, vector<768xf32>
    %reduce_sum3A_34 = arith.constant dense<0.000000e+00> : vector<512xf32>
    %reduce_sum3A_35 = vector.multi_reduction <add>, %get3A_4, %reduce_sum3A_34 [1] : vector<512x768xf32> to vector<512xf32>
    %broadcast_in_dim3A_36 = vector.shape_cast %reduce_sum3A_35 : vector<512xf32> to vector<512x1xf32>
    %div3A_37 = arith.constant 7.680000e+02 : f32
    %div3A_38 = vector.broadcast %div3A_37 : f32 to vector<512x1xf32>
    %div3A_39 = arith.divf %broadcast_in_dim3A_36, %div3A_38 : vector<512x1xf32>
    %sub3A_40 = vector.broadcast %div3A_39 : vector<512x1xf32> to vector<512x768xf32>
    %sub3A_41 = arith.subf %get3A_4, %sub3A_40 : vector<512x768xf32>
    %integer_pow3A_42 = arith.mulf %sub3A_41, %sub3A_41 : vector<512x768xf32>
    %reduce_sum3A_43 = arith.constant dense<0.000000e+00> : vector<512xf32>
    %reduce_sum3A_44 = vector.multi_reduction <add>, %integer_pow3A_42, %reduce_sum3A_43 [1] : vector<512x768xf32> to vector<512xf32>
    %broadcast_in_dim3A_45 = vector.shape_cast %reduce_sum3A_44 : vector<512xf32> to vector<512x1xf32>
    %div3A_46 = arith.constant 7.680000e+02 : f32
    %div3A_47 = vector.broadcast %div3A_46 : f32 to vector<512x1xf32>
    %div3A_48 = arith.divf %broadcast_in_dim3A_45, %div3A_47 : vector<512x1xf32>
    %sub3A_49 = vector.broadcast %div3A_39 : vector<512x1xf32> to vector<512x768xf32>
    %sub3A_50 = arith.subf %get3A_4, %sub3A_49 : vector<512x768xf32>
    %add3A_51 = arith.constant 9.99999974E-6 : f32
    %add3A_52 = vector.broadcast %add3A_51 : f32 to vector<512x1xf32>
    %add3A_53 = arith.addf %div3A_48, %add3A_52 : vector<512x1xf32>
    %sqrt3A_54 = math.sqrt %add3A_53 : vector<512x1xf32>
    %div3A_55 = vector.broadcast %sqrt3A_54 : vector<512x1xf32> to vector<512x768xf32>
    %div3A_56 = arith.divf %sub3A_50, %div3A_55 : vector<512x768xf32>
    %broadcast_in_dim3A_57 = vector.shape_cast %get3A_31 : vector<768xf32> to vector<1x768xf32>
    %mul3A_58 = vector.broadcast %broadcast_in_dim3A_57 : vector<1x768xf32> to vector<512x768xf32>
    %mul3A_59 = arith.mulf %div3A_56, %mul3A_58 : vector<512x768xf32>
    %broadcast_in_dim3A_60 = vector.shape_cast %get3A_33 : vector<768xf32> to vector<1x768xf32>
    %add3A_61 = vector.broadcast %broadcast_in_dim3A_60 : vector<1x768xf32> to vector<512x768xf32>
    %add3A_62 = arith.addf %mul3A_59, %add3A_61 : vector<512x768xf32>
    %get3A_63 = arith.constant 0 : index
    %get3A_64 = arith.constant 0 : index
    %get3A_65 = vector.load %arg3[%get3A_63, %get3A_64] : memref<512x128xf32, #tpu.memory_space<vmem>>, vector<512x128xf32>
    %get3A_66 = arith.constant 0 : index
    %get3A_67 = arith.constant 0 : index
    %get3A_68 = vector.load %arg4[%get3A_66, %get3A_67] : memref<512x128xf32, #tpu.memory_space<vmem>>, vector<512x128xf32>
    %mul3A_69 = arith.mulf %get3A_65, %get3A_68 : vector<512x128xf32>
    %reduce_sum3A_70 = arith.constant dense<0.000000e+00> : vector<512xf32>
    %reduce_sum3A_71 = vector.multi_reduction <add>, %mul3A_69, %reduce_sum3A_70 [1] : vector<512x128xf32> to vector<512xf32>
    %broadcast_in_dim3A_72 = vector.shape_cast %reduce_sum3A_71 : vector<512xf32> to vector<512x1xf32>
    %sqrt3A_73 = arith.constant 1.280000e+02 : f32
    %sqrt3A_74 = math.sqrt %sqrt3A_73 : f32
    %div3A_75 = vector.broadcast %sqrt3A_74 : f32 to vector<512x1xf32>
    %div3A_76 = arith.divf %broadcast_in_dim3A_72, %div3A_75 : vector<512x1xf32>
    %logistic3A = arith.negf %div3A_76 : vector<512x1xf32>
    %logistic3A_77 = math.exp %logistic3A : vector<512x1xf32>
    %logistic3A_78 = arith.constant 1.000000e+00 : f32
    %logistic3A_79 = vector.broadcast %logistic3A_78 : f32 to vector<512x1xf32>
    %logistic3A_80 = arith.addf %logistic3A_79, %logistic3A_77 : vector<512x1xf32>
    %logistic3A_81 = arith.divf %logistic3A_79, %logistic3A_80 : vector<512x1xf32>
    %get3A_82 = arith.constant 0 : index
    %get3A_83 = arith.constant 0 : index
    %get3A_84 = vector.load %arg5[%get3A_82, %get3A_83] : memref<768x768xf32, #tpu.memory_space<vmem>>, vector<768x768xf32>
    %dot_general3A = arith.constant dense<0.000000e+00> : vector<512x768xf32>
    %dot_general3A_85 = tpu.matmul %add3A_29, %get3A_84, %dot_general3A {dimension_numbers = #tpu.dot_dimension_numbers<[1], [0], [0], [1], [0, 0, 1, 1], [], []>, transpose_lhs_hint = false} : vector<512x768xf32>, vector<768x768xf32>, vector<512x768xf32> -> vector<512x768xf32>
    %get3A_86 = arith.constant 0 : index
    %get3A_87 = arith.constant 0 : index
    %get3A_88 = vector.load %arg6[%get3A_86, %get3A_87] : memref<768x768xf32, #tpu.memory_space<vmem>>, vector<768x768xf32>
    %dot_general3A_89 = arith.constant dense<0.000000e+00> : vector<512x768xf32>
    %dot_general3A_90 = tpu.matmul %add3A_62, %get3A_88, %dot_general3A_89 {dimension_numbers = #tpu.dot_dimension_numbers<[1], [0], [0], [1], [0, 0, 1, 1], [], []>, transpose_lhs_hint = false} : vector<512x768xf32>, vector<768x768xf32>, vector<512x768xf32> -> vector<512x768xf32>
    %add3A_91 = arith.addf %dot_general3A_85, %dot_general3A_90 : vector<512x768xf32>
    %get3A_92 = arith.constant 0 : index
    %get3A_93 = arith.constant 0 : index
    %get3A_94 = vector.load %arg7[%get3A_92, %get3A_93] : memref<8x768xf32, #tpu.memory_space<vmem>>, vector<1x768xf32>
    %mul3A_95 = vector.broadcast %logistic3A_81 : vector<512x1xf32> to vector<512x768xf32>
    %mul3A_96 = vector.broadcast %get3A_94 : vector<1x768xf32> to vector<512x768xf32>
    %mul3A_97 = arith.mulf %mul3A_95, %mul3A_96 : vector<512x768xf32>
    %add3A_98 = arith.addf %add3A_91, %mul3A_97 : vector<512x768xf32>
    %get3A_99 = arith.constant 0 : index
    %get3A_100 = vector.load %arg8[%get3A_99] : memref<768xf32, #tpu.memory_space<vmem>>, vector<768xf32>
    %broadcast_in_dim3A_101 = vector.shape_cast %get3A_100 : vector<768xf32> to vector<1x768xf32>
    %add3A_102 = vector.broadcast %broadcast_in_dim3A_101 : vector<1x768xf32> to vector<512x768xf32>
    %add3A_103 = arith.addf %add3A_98, %add3A_102 : vector<512x768xf32>
    %logistic3A_104 = arith.negf %add3A_103 : vector<512x768xf32>
    %logistic3A_105 = math.exp %logistic3A_104 : vector<512x768xf32>
    %logistic3A_106 = arith.constant 1.000000e+00 : f32
    %logistic3A_107 = vector.broadcast %logistic3A_106 : f32 to vector<512x768xf32>
    %logistic3A_108 = arith.addf %logistic3A_107, %logistic3A_105 : vector<512x768xf32>
    %logistic3A_109 = arith.divf %logistic3A_107, %logistic3A_108 : vector<512x768xf32>
    %mul3A_110 = arith.mulf %add3A_103, %logistic3A_109 : vector<512x768xf32>
    %get3A_111 = arith.constant 0 : index
    %get3A_112 = arith.constant 0 : index
    %get3A_113 = vector.load %arg9[%get3A_111, %get3A_112] : memref<768x1xf32, #tpu.memory_space<vmem>>, vector<768x1xf32>
    %dot_general3A_114 = arith.constant dense<0.000000e+00> : vector<512x1xf32>
    %dot_general3A_115 = tpu.matmul %mul3A_110, %get3A_113, %dot_general3A_114 {dimension_numbers = #tpu.dot_dimension_numbers<[1], [0], [0], [1], [0, 0, 1, 1], [], []>, transpose_lhs_hint = false} : vector<512x768xf32>, vector<768x1xf32>, vector<512x1xf32> -> vector<512x1xf32>
    %get3A_116 = arith.constant 0 : index
    %get3A_117 = vector.load %arg10[%get3A_116] : memref<1xf32, #tpu.memory_space<vmem>>, vector<1xf32>
    %broadcast_in_dim3A_118 = vector.shape_cast %get3A_117 : vector<1xf32> to vector<1x1xf32>
    %add3A_119 = vector.broadcast %broadcast_in_dim3A_118 : vector<1x1xf32> to vector<512x1xf32>
    %add3A_120 = arith.addf %dot_general3A_115, %add3A_119 : vector<512x1xf32>
    %logistic3A_121 = arith.negf %add3A_120 : vector<512x1xf32>
    %logistic3A_122 = math.exp %logistic3A_121 : vector<512x1xf32>
    %logistic3A_123 = arith.constant 1.000000e+00 : f32
    %logistic3A_124 = vector.broadcast %logistic3A_123 : f32 to vector<512x1xf32>
    %logistic3A_125 = arith.addf %logistic3A_124, %logistic3A_122 : vector<512x1xf32>
    %logistic3A_126 = arith.divf %logistic3A_124, %logistic3A_125 : vector<512x1xf32>
    %jit3A = arith.constant 0.000000e+00 : f32
    %jit3A_127 = arith.constant 1.000000e+00 : f32
    %max3A = vector.broadcast %jit3A : f32 to vector<512x1xf32>
    %max3A_128 = arith.maximumf %max3A, %logistic3A_126 : vector<512x1xf32>
    %min3A = vector.broadcast %jit3A_127 : f32 to vector<512x1xf32>
    %min3A_129 = arith.minimumf %min3A, %max3A_128 : vector<512x1xf32>
    %sub3A_130 = arith.constant 1.000000e+00 : f32
    %sub3A_131 = vector.broadcast %sub3A_130 : f32 to vector<512x1xf32>
    %sub3A_132 = arith.subf %sub3A_131, %min3A_129 : vector<512x1xf32>
    %mul3A_133 = vector.broadcast %sub3A_132 : vector<512x1xf32> to vector<512x768xf32>
    %mul3A_134 = arith.mulf %mul3A_133, %get3A_1 : vector<512x768xf32>
    %add3A_135 = arith.addf %get3A_1, %get3A_4 : vector<512x768xf32>
    %mul3A_136 = vector.broadcast %min3A_129 : vector<512x1xf32> to vector<512x768xf32>
    %mul3A_137 = arith.mulf %mul3A_136, %add3A_135 : vector<512x768xf32>
    %add3A_138 = arith.addf %mul3A_134, %mul3A_137 : vector<512x768xf32>
    %swap3A = arith.constant 0 : index
    %swap3A_139 = arith.constant 0 : index
    %swap3A_140 = vector.load %arg15[%swap3A, %swap3A_139] : memref<512x768xf32, #tpu.memory_space<vmem>>, vector<512x768xf32>
    tpu.vector_store %arg15[%swap3A, %swap3A_139], %add3A_138 {strides = array<i32>} : memref<512x768xf32, #tpu.memory_space<vmem>>, vector<512x768xf32>,
    %eq3A = arith.constant 0 : i32
    %eq3A_141 = arith.cmpi eq, %arg0, %eq3A : i32
    %convert_element_type3A = arith.extui %eq3A_141 : i1 to i32
    %cond3A = arith.constant 0 : i32
    %cond3A_142 = arith.cmpi ne, %convert_element_type3A, %cond3A : i32
    scf.if %cond3A_142 {
      %broadcast_in_dim3A_168 = arith.constant 0.000000e+00 : f32
      %broadcast_in_dim3A_169 = vector.broadcast %broadcast_in_dim3A_168 : f32 to vector<1x1xf32>
      %swap3A_170 = arith.constant 0 : index
      %swap3A_171 = arith.constant 0 : index
      %swap3A_172 = vector.load %arg16[%swap3A_170, %swap3A_171] : memref<1x1xf32, #tpu.memory_space<vmem>>, vector<1x1xf32>
      tpu.vector_store %arg16[%swap3A_170, %swap3A_171], %broadcast_in_dim3A_169 {strides = array<i32>} : memref<1x1xf32, #tpu.memory_space<vmem>>, vector<1x1xf32>,
      %broadcast_in_dim3A_173 = arith.constant 0.000000e+00 : f32
      %broadcast_in_dim3A_174 = vector.broadcast %broadcast_in_dim3A_173 : f32 to vector<1x1xf32>
      %swap3A_175 = arith.constant 0 : index
      %swap3A_176 = arith.constant 0 : index
      %swap3A_177 = vector.load %arg17[%swap3A_175, %swap3A_176] : memref<1x1xf32, #tpu.memory_space<vmem>>, vector<1x1xf32>
      tpu.vector_store %arg17[%swap3A_175, %swap3A_176], %broadcast_in_dim3A_174 {strides = array<i32>} : memref<1x1xf32, #tpu.memory_space<vmem>>, vector<1x1xf32>,
    } else {
    }
    %get3A_143 = arith.constant 0 : index
    %get3A_144 = arith.constant 0 : index
    %get3A_145 = vector.load %arg16[%get3A_143, %get3A_144] : memref<1x1xf32, #tpu.memory_space<vmem>>, vector<1x1xf32>
    %reduce_sum3A_146 = vector.shape_cast %min3A_129 : vector<512x1xf32> to vector<1x512x1xf32>
    %reduce_sum3A_147 = arith.constant dense<0.000000e+00> : vector<1xf32>
    %reduce_sum3A_148 = vector.multi_reduction <add>, %reduce_sum3A_146, %reduce_sum3A_147 [1, 2] : vector<1x512x1xf32> to vector<1xf32>
    %reduce_sum3A_149 = vector.shape_cast %reduce_sum3A_148 : vector<1xf32> to vector<1x1x1xf32>
    %reduce_sum3A_150 = vector.extract %reduce_sum3A_149[0, 0, 0] : f32 from vector<1x1x1xf32>
    %reshape3A = vector.broadcast %reduce_sum3A_150 : f32 to vector<1x1xf32>
    %add3A_151 = arith.addf %get3A_145, %reshape3A : vector<1x1xf32>
    %swap3A_152 = arith.constant 0 : index
    %swap3A_153 = arith.constant 0 : index
    %swap3A_154 = vector.load %arg16[%swap3A_152, %swap3A_153] : memref<1x1xf32, #tpu.memory_space<vmem>>, vector<1x1xf32>
    tpu.vector_store %arg16[%swap3A_152, %swap3A_153], %add3A_151 {strides = array<i32>} : memref<1x1xf32, #tpu.memory_space<vmem>>, vector<1x1xf32>,
    %get3A_155 = arith.constant 0 : index
    %get3A_156 = arith.constant 0 : index
    %get3A_157 = vector.load %arg17[%get3A_155, %get3A_156] : memref<1x1xf32, #tpu.memory_space<vmem>>, vector<1x1xf32>
    %reduce_sum3A_158 = vector.shape_cast %logistic3A_81 : vector<512x1xf32> to vector<1x512x1xf32>
    %reduce_sum3A_159 = arith.constant dense<0.000000e+00> : vector<1xf32>
    %reduce_sum3A_160 = vector.multi_reduction <add>, %reduce_sum3A_158, %reduce_sum3A_159 [1, 2] : vector<1x512x1xf32> to vector<1xf32>
    %reduce_sum3A_161 = vector.shape_cast %reduce_sum3A_160 : vector<1xf32> to vector<1x1x1xf32>
    %reduce_sum3A_162 = vector.extract %reduce_sum3A_161[0, 0, 0] : f32 from vector<1x1x1xf32>
    %reshape3A_163 = vector.broadcast %reduce_sum3A_162 : f32 to vector<1x1xf32>
    %add3A_164 = arith.addf %get3A_157, %reshape3A_163 : vector<1x1xf32>
    %swap3A_165 = arith.constant 0 : index
    %swap3A_166 = arith.constant 0 : index
    %swap3A_167 = vector.load %arg17[%swap3A_165, %swap3A_166] : memref<1x1xf32, #tpu.memory_space<vmem>>, vector<1x1xf32>
    tpu.vector_store %arg17[%swap3A_165, %swap3A_166], %add3A_164 {strides = array<i32>} : memref<1x1xf32, #tpu.memory_space<vmem>>, vector<1x1xf32>,
    return
  }
  func.func @transform_0(%arg0: i32) -> (i32, i32) {
    %add3A = arith.constant 0 : i32
    %add3A_0 = arith.addi %arg0, %add3A : i32
    %c0_i32 = arith.constant 0 : i32
    %c0_i32_1 = arith.constant 0 : i32
    return %add3A_0, %c0_i32 : i32, i32
  }
  func.func @transform_1(%arg0: i32) -> (i32, i32) {
    %c0_i32 = arith.constant 0 : i32
    %c0_i32_0 = arith.constant 0 : i32
    return %arg0, %c0_i32 : i32, i32
  }
  func.func @transform_2(%arg0: i32) -> (i32, i32) {
    %c0_i32 = arith.constant 0 : i32
    %c0_i32_0 = arith.constant 0 : i32
    return %arg0, %c0_i32 : i32, i32
  }
  func.func @transform_3(%arg0: i32) -> (i32, i32) {
    %c0_i32 = arith.constant 0 : i32
    %c0_i32_0 = arith.constant 0 : i32
    return %arg0, %c0_i32 : i32, i32
  }
  func.func @transform_4(%arg0: i32) -> (i32, i32) {
    %c0_i32 = arith.constant 0 : i32
    %c0_i32_0 = arith.constant 0 : i32
    %c0_i32_1 = arith.constant 0 : i32
    return %c0_i32, %c0_i32_0 : i32, i32
  }
  func.func @transform_5(%arg0: i32) -> (i32, i32) {
    %c1_i32 = arith.constant 1 : i32
    %c0_i32 = arith.constant 0 : i32
    %c0_i32_0 = arith.constant 0 : i32
    return %c1_i32, %c0_i32 : i32, i32
  }
  func.func @transform_6(%arg0: i32) -> (i32, i32) {
    %c192_i32 = arith.constant 192 : i32
    %c0_i32 = arith.constant 0 : i32
    %c0_i32_0 = arith.constant 0 : i32
    return %c192_i32, %c0_i32 : i32, i32
  }
  func.func @transform_7(%arg0: i32) -> i32 {
    %c0_i32 = arith.constant 0 : i32
    %c0_i32_0 = arith.constant 0 : i32
    return %c0_i32 : i32
  }
  func.func @transform_8(%arg0: i32) -> (i32, i32) {
    %c0_i32 = arith.constant 0 : i32
    %c0_i32_0 = arith.constant 0 : i32
    %c0_i32_1 = arith.constant 0 : i32
    return %c0_i32, %c0_i32_0 : i32, i32
  }
  func.func @transform_9(%arg0: i32) -> i32 {
    %c0_i32 = arith.constant 0 : i32
    %c0_i32_0 = arith.constant 0 : i32
    return %c0_i32 : i32
  }
  func.func @transform_10(%arg0: i32) -> i32 {
    %c0_i32 = arith.constant 0 : i32
    %c0_i32_0 = arith.constant 0 : i32
    return %c0_i32 : i32
  }
  func.func @transform_11(%arg0: i32) -> i32 {
    %c0_i32 = arith.constant 0 : i32
    %c0_i32_0 = arith.constant 0 : i32
    return %c0_i32 : i32
  }
  func.func @transform_12(%arg0: i32) -> i32 {
    %c0_i32 = arith.constant 0 : i32
    %c0_i32_0 = arith.constant 0 : i32
    return %c0_i32 : i32
  }
  func.func @transform_13(%arg0: i32) -> i32 {
    %c0_i32 = arith.constant 0 : i32
    %c0_i32_0 = arith.constant 0 : i32
    return %c0_i32 : i32
  }
  func.func @transform_14(%arg0: i32) -> (i32, i32) {
    %add3A = arith.constant 0 : i32
    %add3A_0 = arith.addi %arg0, %add3A : i32
    %c0_i32 = arith.constant 0 : i32
    %c0_i32_1 = arith.constant 0 : i32
    return %add3A_0, %c0_i32 : i32, i32
  }
  func.func @transform_15(%arg0: i32) -> (i32, i32) {
    %c0_i32 = arith.constant 0 : i32
    %c0_i32_0 = arith.constant 0 : i32
    %c0_i32_1 = arith.constant 0 : i32
    return %c0_i32, %c0_i32_0 : i32, i32
  }
  func.func @transform_16(%arg0: i32) -> (i32, i32) {
    %c0_i32 = arith.constant 0 : i32
    %c0_i32_0 = arith.constant 0 : i32
    %c0_i32_1 = arith.constant 0 : i32
    return %c0_i32, %c0_i32_0 : i32, i32
  }
}

module attributes {stable_mosaic.version = 14 : i64} {
  func.func @_tail_body_alias(%arg0: i32, %arg1: memref<512x768xf32, #tpu.memory_space<vmem>>, %arg2: memref<512x768xf32, #tpu.memory_space<vmem>>, %arg3: memref<512x128xf32, #tpu.memory_space<vmem>>, %arg4: memref<512x128xf32, #tpu.memory_space<vmem>>, %arg5: memref<768x768xf32, #tpu.memory_space<vmem>>, %arg6: memref<768x768xf32, #tpu.memory_space<vmem>>, %arg7: memref<8x768xf32, #tpu.memory_space<vmem>>, %arg8: memref<768xf32, #tpu.memory_space<vmem>>, %arg9: memref<768x1xf32, #tpu.memory_space<vmem>>, %arg10: memref<1xf32, #tpu.memory_space<vmem>>, %arg11: memref<768xf32, #tpu.memory_space<vmem>>, %arg12: memref<768xf32, #tpu.memory_space<vmem>>, %arg13: memref<768xf32, #tpu.memory_space<vmem>>, %arg14: memref<768xf32, #tpu.memory_space<vmem>>, %arg15: memref<8x128xf32, #tpu.memory_space<vmem>>, %arg16: memref<512x768xf32, #tpu.memory_space<vmem>>, %arg17: memref<1x1xf32, #tpu.memory_space<vmem>>, %arg18: memref<1x1xf32, #tpu.memory_space<vmem>>) attributes {dimension_semantics = [#tpu.dimension_semantics<arbitrary>], iteration_bounds = array<i64: 8>, scalar_prefetch = 0 : i64, scratch_operands = 0 : i64, tpu.core_type = #tpu.core_type<tc>, window_params = [{transform_indices = @transform_0, window_bounds = array<i64: 512, 768>}, {transform_indices = @transform_1, window_bounds = array<i64: 512, 768>}, {transform_indices = @transform_2, window_bounds = array<i64: 512, 128>}, {transform_indices = @transform_3, window_bounds = array<i64: 512, 128>}, {transform_indices = @transform_4, window_bounds = array<i64: 768, 768>}, {transform_indices = @transform_5, window_bounds = array<i64: 768, 768>}, {transform_indices = @transform_6, window_bounds = array<i64: 8, 768>}, {pipeline_mode = #tpu.pipeline_mode<synchronous>, transform_indices = @transform_7, window_bounds = array<i64: 768>}, {pipeline_mode = #tpu.pipeline_mode<synchronous>, transform_indices = @transform_8, window_bounds = array<i64: 768, 1>}, {pipeline_mode = #tpu.pipeline_mode<synchronous>, transform_indices = @transform_9, window_bounds = array<i64: 1>}, {pipeline_mode = #tpu.pipeline_mode<synchronous>, transform_indices = @transform_10, window_bounds = array<i64: 768>}, {pipeline_mode = #tpu.pipeline_mode<synchronous>, transform_indices = @transform_11, window_bounds = array<i64: 768>}, {pipeline_mode = #tpu.pipeline_mode<synchronous>, transform_indices = @transform_12, window_bounds = array<i64: 768>}, {pipeline_mode = #tpu.pipeline_mode<synchronous>, transform_indices = @transform_13, window_bounds = array<i64: 768>}, {transform_indices = @transform_14, window_bounds = array<i64: 8, 128>}, {transform_indices = @transform_15, window_bounds = array<i64: 512, 768>}, {pipeline_mode = #tpu.pipeline_mode<synchronous>, transform_indices = @transform_16, window_bounds = array<i64: 1, 1>}, {pipeline_mode = #tpu.pipeline_mode<synchronous>, transform_indices = @transform_17, window_bounds = array<i64: 1, 1>}]} {
    %get3A = arith.constant 0 : index
    %get3A_0 = arith.constant 0 : index
    %get3A_1 = vector.load %arg1[%get3A, %get3A_0] : memref<512x768xf32, #tpu.memory_space<vmem>>, vector<512x768xf32>
    %get3A_2 = arith.constant 0 : index
    %get3A_3 = arith.constant 0 : index
    %get3A_4 = vector.load %arg2[%get3A_2, %get3A_3] : memref<512x768xf32, #tpu.memory_space<vmem>>, vector<512x768xf32>
    %get3A_5 = arith.constant 0 : index
    %get3A_6 = vector.load %arg11[%get3A_5] : memref<768xf32, #tpu.memory_space<vmem>>, vector<768xf32>
    %get3A_7 = arith.constant 0 : index
    %get3A_8 = vector.load %arg12[%get3A_7] : memref<768xf32, #tpu.memory_space<vmem>>, vector<768xf32>
    %reduce_sum3A = arith.constant dense<0.000000e+00> : vector<512xf32>
    %reduce_sum3A_9 = vector.multi_reduction <add>, %get3A_1, %reduce_sum3A [1] : vector<512x768xf32> to vector<512xf32>
    %broadcast_in_dim3A = vector.shape_cast %reduce_sum3A_9 : vector<512xf32> to vector<512x1xf32>
    %div3A = arith.constant 7.680000e+02 : f32
    %div3A_10 = vector.broadcast %div3A : f32 to vector<512x1xf32>
    %div3A_11 = arith.divf %broadcast_in_dim3A, %div3A_10 : vector<512x1xf32>
    %sub3A = vector.broadcast %div3A_11 : vector<512x1xf32> to vector<512x768xf32>
    %sub3A_12 = arith.subf %get3A_1, %sub3A : vector<512x768xf32>
    %integer_pow3A = arith.mulf %sub3A_12, %sub3A_12 : vector<512x768xf32>
    %reduce_sum3A_13 = arith.constant dense<0.000000e+00> : vector<512xf32>
    %reduce_sum3A_14 = vector.multi_reduction <add>, %integer_pow3A, %reduce_sum3A_13 [1] : vector<512x768xf32> to vector<512xf32>
    %broadcast_in_dim3A_15 = vector.shape_cast %reduce_sum3A_14 : vector<512xf32> to vector<512x1xf32>
    %div3A_16 = arith.constant 7.680000e+02 : f32
    %div3A_17 = vector.broadcast %div3A_16 : f32 to vector<512x1xf32>
    %div3A_18 = arith.divf %broadcast_in_dim3A_15, %div3A_17 : vector<512x1xf32>
    %sub3A_19 = vector.broadcast %div3A_11 : vector<512x1xf32> to vector<512x768xf32>
    %sub3A_20 = arith.subf %get3A_1, %sub3A_19 : vector<512x768xf32>
    %add3A = arith.constant 9.99999974E-6 : f32
    %add3A_21 = vector.broadcast %add3A : f32 to vector<512x1xf32>
    %add3A_22 = arith.addf %div3A_18, %add3A_21 : vector<512x1xf32>
    %sqrt3A = math.sqrt %add3A_22 : vector<512x1xf32>
    %div3A_23 = vector.broadcast %sqrt3A : vector<512x1xf32> to vector<512x768xf32>
    %div3A_24 = arith.divf %sub3A_20, %div3A_23 : vector<512x768xf32>
    %broadcast_in_dim3A_25 = vector.shape_cast %get3A_6 : vector<768xf32> to vector<1x768xf32>
    %mul3A = vector.broadcast %broadcast_in_dim3A_25 : vector<1x768xf32> to vector<512x768xf32>
    %mul3A_26 = arith.mulf %div3A_24, %mul3A : vector<512x768xf32>
    %broadcast_in_dim3A_27 = vector.shape_cast %get3A_8 : vector<768xf32> to vector<1x768xf32>
    %add3A_28 = vector.broadcast %broadcast_in_dim3A_27 : vector<1x768xf32> to vector<512x768xf32>
    %add3A_29 = arith.addf %mul3A_26, %add3A_28 : vector<512x768xf32>
    %get3A_30 = arith.constant 0 : index
    %get3A_31 = vector.load %arg13[%get3A_30] : memref<768xf32, #tpu.memory_space<vmem>>, vector<768xf32>
    %get3A_32 = arith.constant 0 : index
    %get3A_33 = vector.load %arg14[%get3A_32] : memref<768xf32, #tpu.memory_space<vmem>>, vector<768xf32>
    %reduce_sum3A_34 = arith.constant dense<0.000000e+00> : vector<512xf32>
    %reduce_sum3A_35 = vector.multi_reduction <add>, %get3A_4, %reduce_sum3A_34 [1] : vector<512x768xf32> to vector<512xf32>
    %broadcast_in_dim3A_36 = vector.shape_cast %reduce_sum3A_35 : vector<512xf32> to vector<512x1xf32>
    %div3A_37 = arith.constant 7.680000e+02 : f32
    %div3A_38 = vector.broadcast %div3A_37 : f32 to vector<512x1xf32>
    %div3A_39 = arith.divf %broadcast_in_dim3A_36, %div3A_38 : vector<512x1xf32>
    %sub3A_40 = vector.broadcast %div3A_39 : vector<512x1xf32> to vector<512x768xf32>
    %sub3A_41 = arith.subf %get3A_4, %sub3A_40 : vector<512x768xf32>
    %integer_pow3A_42 = arith.mulf %sub3A_41, %sub3A_41 : vector<512x768xf32>
    %reduce_sum3A_43 = arith.constant dense<0.000000e+00> : vector<512xf32>
    %reduce_sum3A_44 = vector.multi_reduction <add>, %integer_pow3A_42, %reduce_sum3A_43 [1] : vector<512x768xf32> to vector<512xf32>
    %broadcast_in_dim3A_45 = vector.shape_cast %reduce_sum3A_44 : vector<512xf32> to vector<512x1xf32>
    %div3A_46 = arith.constant 7.680000e+02 : f32
    %div3A_47 = vector.broadcast %div3A_46 : f32 to vector<512x1xf32>
    %div3A_48 = arith.divf %broadcast_in_dim3A_45, %div3A_47 : vector<512x1xf32>
    %sub3A_49 = vector.broadcast %div3A_39 : vector<512x1xf32> to vector<512x768xf32>
    %sub3A_50 = arith.subf %get3A_4, %sub3A_49 : vector<512x768xf32>
    %add3A_51 = arith.constant 9.99999974E-6 : f32
    %add3A_52 = vector.broadcast %add3A_51 : f32 to vector<512x1xf32>
    %add3A_53 = arith.addf %div3A_48, %add3A_52 : vector<512x1xf32>
    %sqrt3A_54 = math.sqrt %add3A_53 : vector<512x1xf32>
    %div3A_55 = vector.broadcast %sqrt3A_54 : vector<512x1xf32> to vector<512x768xf32>
    %div3A_56 = arith.divf %sub3A_50, %div3A_55 : vector<512x768xf32>
    %broadcast_in_dim3A_57 = vector.shape_cast %get3A_31 : vector<768xf32> to vector<1x768xf32>
    %mul3A_58 = vector.broadcast %broadcast_in_dim3A_57 : vector<1x768xf32> to vector<512x768xf32>
    %mul3A_59 = arith.mulf %div3A_56, %mul3A_58 : vector<512x768xf32>
    %broadcast_in_dim3A_60 = vector.shape_cast %get3A_33 : vector<768xf32> to vector<1x768xf32>
    %add3A_61 = vector.broadcast %broadcast_in_dim3A_60 : vector<1x768xf32> to vector<512x768xf32>
    %add3A_62 = arith.addf %mul3A_59, %add3A_61 : vector<512x768xf32>
    %get3A_63 = arith.constant 0 : index
    %get3A_64 = arith.constant 0 : index
    %get3A_65 = vector.load %arg3[%get3A_63, %get3A_64] : memref<512x128xf32, #tpu.memory_space<vmem>>, vector<512x128xf32>
    %get3A_66 = arith.constant 0 : index
    %get3A_67 = arith.constant 0 : index
    %get3A_68 = vector.load %arg4[%get3A_66, %get3A_67] : memref<512x128xf32, #tpu.memory_space<vmem>>, vector<512x128xf32>
    %mul3A_69 = arith.mulf %get3A_65, %get3A_68 : vector<512x128xf32>
    %reduce_sum3A_70 = arith.constant dense<0.000000e+00> : vector<512xf32>
    %reduce_sum3A_71 = vector.multi_reduction <add>, %mul3A_69, %reduce_sum3A_70 [1] : vector<512x128xf32> to vector<512xf32>
    %broadcast_in_dim3A_72 = vector.shape_cast %reduce_sum3A_71 : vector<512xf32> to vector<512x1xf32>
    %sqrt3A_73 = arith.constant 1.280000e+02 : f32
    %sqrt3A_74 = math.sqrt %sqrt3A_73 : f32
    %div3A_75 = vector.broadcast %sqrt3A_74 : f32 to vector<512x1xf32>
    %div3A_76 = arith.divf %broadcast_in_dim3A_72, %div3A_75 : vector<512x1xf32>
    %logistic3A = arith.negf %div3A_76 : vector<512x1xf32>
    %logistic3A_77 = math.exp %logistic3A : vector<512x1xf32>
    %logistic3A_78 = arith.constant 1.000000e+00 : f32
    %logistic3A_79 = vector.broadcast %logistic3A_78 : f32 to vector<512x1xf32>
    %logistic3A_80 = arith.addf %logistic3A_79, %logistic3A_77 : vector<512x1xf32>
    %logistic3A_81 = arith.divf %logistic3A_79, %logistic3A_80 : vector<512x1xf32>
    %get3A_82 = arith.constant 0 : index
    %get3A_83 = arith.constant 0 : index
    %get3A_84 = vector.load %arg5[%get3A_82, %get3A_83] : memref<768x768xf32, #tpu.memory_space<vmem>>, vector<768x768xf32>
    %dot_general3A = arith.constant dense<0.000000e+00> : vector<512x768xf32>
    %dot_general3A_85 = tpu.matmul %add3A_29, %get3A_84, %dot_general3A {dimension_numbers = #tpu.dot_dimension_numbers<[1], [0], [0], [1], [0, 0, 1, 1], [], []>, transpose_lhs_hint = false} : vector<512x768xf32>, vector<768x768xf32>, vector<512x768xf32> -> vector<512x768xf32>
    %get3A_86 = arith.constant 0 : index
    %get3A_87 = arith.constant 0 : index
    %get3A_88 = vector.load %arg6[%get3A_86, %get3A_87] : memref<768x768xf32, #tpu.memory_space<vmem>>, vector<768x768xf32>
    %dot_general3A_89 = arith.constant dense<0.000000e+00> : vector<512x768xf32>
    %dot_general3A_90 = tpu.matmul %add3A_62, %get3A_88, %dot_general3A_89 {dimension_numbers = #tpu.dot_dimension_numbers<[1], [0], [0], [1], [0, 0, 1, 1], [], []>, transpose_lhs_hint = false} : vector<512x768xf32>, vector<768x768xf32>, vector<512x768xf32> -> vector<512x768xf32>
    %add3A_91 = arith.addf %dot_general3A_85, %dot_general3A_90 : vector<512x768xf32>
    %get3A_92 = arith.constant 0 : index
    %get3A_93 = arith.constant 0 : index
    %get3A_94 = vector.load %arg7[%get3A_92, %get3A_93] : memref<8x768xf32, #tpu.memory_space<vmem>>, vector<1x768xf32>
    %mul3A_95 = vector.broadcast %logistic3A_81 : vector<512x1xf32> to vector<512x768xf32>
    %mul3A_96 = vector.broadcast %get3A_94 : vector<1x768xf32> to vector<512x768xf32>
    %mul3A_97 = arith.mulf %mul3A_95, %mul3A_96 : vector<512x768xf32>
    %add3A_98 = arith.addf %add3A_91, %mul3A_97 : vector<512x768xf32>
    %get3A_99 = arith.constant 0 : index
    %get3A_100 = vector.load %arg8[%get3A_99] : memref<768xf32, #tpu.memory_space<vmem>>, vector<768xf32>
    %broadcast_in_dim3A_101 = vector.shape_cast %get3A_100 : vector<768xf32> to vector<1x768xf32>
    %add3A_102 = vector.broadcast %broadcast_in_dim3A_101 : vector<1x768xf32> to vector<512x768xf32>
    %add3A_103 = arith.addf %add3A_98, %add3A_102 : vector<512x768xf32>
    %logistic3A_104 = arith.negf %add3A_103 : vector<512x768xf32>
    %logistic3A_105 = math.exp %logistic3A_104 : vector<512x768xf32>
    %logistic3A_106 = arith.constant 1.000000e+00 : f32
    %logistic3A_107 = vector.broadcast %logistic3A_106 : f32 to vector<512x768xf32>
    %logistic3A_108 = arith.addf %logistic3A_107, %logistic3A_105 : vector<512x768xf32>
    %logistic3A_109 = arith.divf %logistic3A_107, %logistic3A_108 : vector<512x768xf32>
    %mul3A_110 = arith.mulf %add3A_103, %logistic3A_109 : vector<512x768xf32>
    %get3A_111 = arith.constant 0 : index
    %get3A_112 = arith.constant 0 : index
    %get3A_113 = vector.load %arg9[%get3A_111, %get3A_112] : memref<768x1xf32, #tpu.memory_space<vmem>>, vector<768x1xf32>
    %dot_general3A_114 = arith.constant dense<0.000000e+00> : vector<512x1xf32>
    %dot_general3A_115 = tpu.matmul %mul3A_110, %get3A_113, %dot_general3A_114 {dimension_numbers = #tpu.dot_dimension_numbers<[1], [0], [0], [1], [0, 0, 1, 1], [], []>, transpose_lhs_hint = false} : vector<512x768xf32>, vector<768x1xf32>, vector<512x1xf32> -> vector<512x1xf32>
    %get3A_116 = arith.constant 0 : index
    %get3A_117 = vector.load %arg10[%get3A_116] : memref<1xf32, #tpu.memory_space<vmem>>, vector<1xf32>
    %broadcast_in_dim3A_118 = vector.shape_cast %get3A_117 : vector<1xf32> to vector<1x1xf32>
    %add3A_119 = vector.broadcast %broadcast_in_dim3A_118 : vector<1x1xf32> to vector<512x1xf32>
    %add3A_120 = arith.addf %dot_general3A_115, %add3A_119 : vector<512x1xf32>
    %logistic3A_121 = arith.negf %add3A_120 : vector<512x1xf32>
    %logistic3A_122 = math.exp %logistic3A_121 : vector<512x1xf32>
    %logistic3A_123 = arith.constant 1.000000e+00 : f32
    %logistic3A_124 = vector.broadcast %logistic3A_123 : f32 to vector<512x1xf32>
    %logistic3A_125 = arith.addf %logistic3A_124, %logistic3A_122 : vector<512x1xf32>
    %logistic3A_126 = arith.divf %logistic3A_124, %logistic3A_125 : vector<512x1xf32>
    %jit3A = arith.constant 0.000000e+00 : f32
    %jit3A_127 = arith.constant 1.000000e+00 : f32
    %max3A = vector.broadcast %jit3A : f32 to vector<512x1xf32>
    %max3A_128 = arith.maximumf %max3A, %logistic3A_126 : vector<512x1xf32>
    %min3A = vector.broadcast %jit3A_127 : f32 to vector<512x1xf32>
    %min3A_129 = arith.minimumf %min3A, %max3A_128 : vector<512x1xf32>
    %sub3A_130 = arith.constant 1.000000e+00 : f32
    %sub3A_131 = vector.broadcast %sub3A_130 : f32 to vector<512x1xf32>
    %sub3A_132 = arith.subf %sub3A_131, %min3A_129 : vector<512x1xf32>
    %mul3A_133 = vector.broadcast %sub3A_132 : vector<512x1xf32> to vector<512x768xf32>
    %mul3A_134 = arith.mulf %mul3A_133, %get3A_1 : vector<512x768xf32>
    %add3A_135 = arith.addf %get3A_1, %get3A_4 : vector<512x768xf32>
    %mul3A_136 = vector.broadcast %min3A_129 : vector<512x1xf32> to vector<512x768xf32>
    %mul3A_137 = arith.mulf %mul3A_136, %add3A_135 : vector<512x768xf32>
    %add3A_138 = arith.addf %mul3A_134, %mul3A_137 : vector<512x768xf32>
    %swap3A = arith.constant 0 : index
    %swap3A_139 = arith.constant 0 : index
    %swap3A_140 = vector.load %arg16[%swap3A, %swap3A_139] : memref<512x768xf32, #tpu.memory_space<vmem>>, vector<512x768xf32>
    tpu.vector_store %arg16[%swap3A, %swap3A_139], %add3A_138 {strides = array<i32>} : memref<512x768xf32, #tpu.memory_space<vmem>>, vector<512x768xf32>,
    %eq3A = arith.constant 0 : i32
    %eq3A_141 = arith.cmpi eq, %arg0, %eq3A : i32
    %convert_element_type3A = arith.extui %eq3A_141 : i1 to i32
    %cond3A = arith.constant 0 : i32
    %cond3A_142 = arith.cmpi ne, %convert_element_type3A, %cond3A : i32
    scf.if %cond3A_142 {
      %broadcast_in_dim3A_168 = arith.constant 0.000000e+00 : f32
      %broadcast_in_dim3A_169 = vector.broadcast %broadcast_in_dim3A_168 : f32 to vector<1x1xf32>
      %swap3A_170 = arith.constant 0 : index
      %swap3A_171 = arith.constant 0 : index
      %swap3A_172 = vector.load %arg17[%swap3A_170, %swap3A_171] : memref<1x1xf32, #tpu.memory_space<vmem>>, vector<1x1xf32>
      tpu.vector_store %arg17[%swap3A_170, %swap3A_171], %broadcast_in_dim3A_169 {strides = array<i32>} : memref<1x1xf32, #tpu.memory_space<vmem>>, vector<1x1xf32>,
      %broadcast_in_dim3A_173 = arith.constant 0.000000e+00 : f32
      %broadcast_in_dim3A_174 = vector.broadcast %broadcast_in_dim3A_173 : f32 to vector<1x1xf32>
      %swap3A_175 = arith.constant 0 : index
      %swap3A_176 = arith.constant 0 : index
      %swap3A_177 = vector.load %arg18[%swap3A_175, %swap3A_176] : memref<1x1xf32, #tpu.memory_space<vmem>>, vector<1x1xf32>
      tpu.vector_store %arg18[%swap3A_175, %swap3A_176], %broadcast_in_dim3A_174 {strides = array<i32>} : memref<1x1xf32, #tpu.memory_space<vmem>>, vector<1x1xf32>,
    } else {
    }
    %get3A_143 = arith.constant 0 : index
    %get3A_144 = arith.constant 0 : index
    %get3A_145 = vector.load %arg17[%get3A_143, %get3A_144] : memref<1x1xf32, #tpu.memory_space<vmem>>, vector<1x1xf32>
    %reduce_sum3A_146 = vector.shape_cast %min3A_129 : vector<512x1xf32> to vector<1x512x1xf32>
    %reduce_sum3A_147 = arith.constant dense<0.000000e+00> : vector<1xf32>
    %reduce_sum3A_148 = vector.multi_reduction <add>, %reduce_sum3A_146, %reduce_sum3A_147 [1, 2] : vector<1x512x1xf32> to vector<1xf32>
    %reduce_sum3A_149 = vector.shape_cast %reduce_sum3A_148 : vector<1xf32> to vector<1x1x1xf32>
    %reduce_sum3A_150 = vector.extract %reduce_sum3A_149[0, 0, 0] : f32 from vector<1x1x1xf32>
    %reshape3A = vector.broadcast %reduce_sum3A_150 : f32 to vector<1x1xf32>
    %add3A_151 = arith.addf %get3A_145, %reshape3A : vector<1x1xf32>
    %swap3A_152 = arith.constant 0 : index
    %swap3A_153 = arith.constant 0 : index
    %swap3A_154 = vector.load %arg17[%swap3A_152, %swap3A_153] : memref<1x1xf32, #tpu.memory_space<vmem>>, vector<1x1xf32>
    tpu.vector_store %arg17[%swap3A_152, %swap3A_153], %add3A_151 {strides = array<i32>} : memref<1x1xf32, #tpu.memory_space<vmem>>, vector<1x1xf32>,
    %get3A_155 = arith.constant 0 : index
    %get3A_156 = arith.constant 0 : index
    %get3A_157 = vector.load %arg18[%get3A_155, %get3A_156] : memref<1x1xf32, #tpu.memory_space<vmem>>, vector<1x1xf32>
    %reduce_sum3A_158 = vector.shape_cast %logistic3A_81 : vector<512x1xf32> to vector<1x512x1xf32>
    %reduce_sum3A_159 = arith.constant dense<0.000000e+00> : vector<1xf32>
    %reduce_sum3A_160 = vector.multi_reduction <add>, %reduce_sum3A_158, %reduce_sum3A_159 [1, 2] : vector<1x512x1xf32> to vector<1xf32>
    %reduce_sum3A_161 = vector.shape_cast %reduce_sum3A_160 : vector<1xf32> to vector<1x1x1xf32>
    %reduce_sum3A_162 = vector.extract %reduce_sum3A_161[0, 0, 0] : f32 from vector<1x1x1xf32>
    %reshape3A_163 = vector.broadcast %reduce_sum3A_162 : f32 to vector<1x1xf32>
    %add3A_164 = arith.addf %get3A_157, %reshape3A_163 : vector<1x1xf32>
    %swap3A_165 = arith.constant 0 : index
    %swap3A_166 = arith.constant 0 : index
    %swap3A_167 = vector.load %arg18[%swap3A_165, %swap3A_166] : memref<1x1xf32, #tpu.memory_space<vmem>>, vector<1x1xf32>
    tpu.vector_store %arg18[%swap3A_165, %swap3A_166], %add3A_164 {strides = array<i32>} : memref<1x1xf32, #tpu.memory_space<vmem>>, vector<1x1xf32>,
    return
  }
  func.func @transform_0(%arg0: i32) -> (i32, i32) {
    %add3A = arith.constant 8 : i32
    %add3A_0 = arith.addi %arg0, %add3A : i32
    %c0_i32 = arith.constant 0 : i32
    %c0_i32_1 = arith.constant 0 : i32
    return %add3A_0, %c0_i32 : i32, i32
  }
  func.func @transform_1(%arg0: i32) -> (i32, i32) {
    %c0_i32 = arith.constant 0 : i32
    %c0_i32_0 = arith.constant 0 : i32
    return %arg0, %c0_i32 : i32, i32
  }
  func.func @transform_2(%arg0: i32) -> (i32, i32) {
    %c0_i32 = arith.constant 0 : i32
    %c0_i32_0 = arith.constant 0 : i32
    return %arg0, %c0_i32 : i32, i32
  }
  func.func @transform_3(%arg0: i32) -> (i32, i32) {
    %c0_i32 = arith.constant 0 : i32
    %c0_i32_0 = arith.constant 0 : i32
    return %arg0, %c0_i32 : i32, i32
  }
  func.func @transform_4(%arg0: i32) -> (i32, i32) {
    %c0_i32 = arith.constant 0 : i32
    %c0_i32_0 = arith.constant 0 : i32
    %c0_i32_1 = arith.constant 0 : i32
    return %c0_i32, %c0_i32_0 : i32, i32
  }
  func.func @transform_5(%arg0: i32) -> (i32, i32) {
    %c1_i32 = arith.constant 1 : i32
    %c0_i32 = arith.constant 0 : i32
    %c0_i32_0 = arith.constant 0 : i32
    return %c1_i32, %c0_i32 : i32, i32
  }
  func.func @transform_6(%arg0: i32) -> (i32, i32) {
    %c192_i32 = arith.constant 192 : i32
    %c0_i32 = arith.constant 0 : i32
    %c0_i32_0 = arith.constant 0 : i32
    return %c192_i32, %c0_i32 : i32, i32
  }
  func.func @transform_7(%arg0: i32) -> i32 {
    %c0_i32 = arith.constant 0 : i32
    %c0_i32_0 = arith.constant 0 : i32
    return %c0_i32 : i32
  }
  func.func @transform_8(%arg0: i32) -> (i32, i32) {
    %c0_i32 = arith.constant 0 : i32
    %c0_i32_0 = arith.constant 0 : i32
    %c0_i32_1 = arith.constant 0 : i32
    return %c0_i32, %c0_i32_0 : i32, i32
  }
  func.func @transform_9(%arg0: i32) -> i32 {
    %c0_i32 = arith.constant 0 : i32
    %c0_i32_0 = arith.constant 0 : i32
    return %c0_i32 : i32
  }
  func.func @transform_10(%arg0: i32) -> i32 {
    %c0_i32 = arith.constant 0 : i32
    %c0_i32_0 = arith.constant 0 : i32
    return %c0_i32 : i32
  }
  func.func @transform_11(%arg0: i32) -> i32 {
    %c0_i32 = arith.constant 0 : i32
    %c0_i32_0 = arith.constant 0 : i32
    return %c0_i32 : i32
  }
  func.func @transform_12(%arg0: i32) -> i32 {
    %c0_i32 = arith.constant 0 : i32
    %c0_i32_0 = arith.constant 0 : i32
    return %c0_i32 : i32
  }
  func.func @transform_13(%arg0: i32) -> i32 {
    %c0_i32 = arith.constant 0 : i32
    %c0_i32_0 = arith.constant 0 : i32
    return %c0_i32 : i32
  }
  func.func @transform_14(%arg0: i32) -> (i32, i32) {
    %c0_i32 = arith.constant 0 : i32
    %c0_i32_0 = arith.constant 0 : i32
    %c0_i32_1 = arith.constant 0 : i32
    return %c0_i32, %c0_i32_0 : i32, i32
  }
  func.func @transform_15(%arg0: i32) -> (i32, i32) {
    %add3A = arith.constant 8 : i32
    %add3A_0 = arith.addi %arg0, %add3A : i32
    %c0_i32 = arith.constant 0 : i32
    %c0_i32_1 = arith.constant 0 : i32
    return %add3A_0, %c0_i32 : i32, i32
  }
  func.func @transform_16(%arg0: i32) -> (i32, i32) {
    %c0_i32 = arith.constant 0 : i32
    %c0_i32_0 = arith.constant 0 : i32
    %c0_i32_1 = arith.constant 0 : i32
    return %c0_i32, %c0_i32_0 : i32, i32
  }
  func.func @transform_17(%arg0: i32) -> (i32, i32) {
    %c0_i32 = arith.constant 0 : i32
    %c0_i32_0 = arith.constant 0 : i32
    %c0_i32_1 = arith.constant 0 : i32
    return %c0_i32, %c0_i32_0 : i32, i32
  }
}

</mosaic_0001>

<sc_bundles>
// kernel: kernel.11.cloned.1.call-start
scs
__scs_entry_jumppad:
0x0: {  	(pc) =	sbr.rel $0x88, $3  }
0x1: {  	(tag) =	ssettag $0x0;
	lr =	simm.s32 $0x1  }
0x2: {  	[smem:$0x3F90] =	sst lr;
	_ =	strace $0xD0000000  }
0x3: {  	_ = 	snop  }
0x4: {  	_ = 	snop  }
0x5: {  	_ = 	snop  }
0x6: {  	_ = 	snop  }
0x7: {  	_ = 	snop  }
__scs_overlays_trampoline_lowered:
0x8: {  	[smem:$0x3F9F] =	sst s0  }
0x9: {  	[smem:$0x3FA0] =	sst s1  }
0xa: {  	[smem:$0x3FA1] =	sst s2  }
0xb: {  	[smem:$0x3FA2] =	sst s3  }
0xc: {  	[smem:$0x3FA3] =	sst s4  }
0xd: {  	[smem:$0x3FA4] =	sst s5  }
0xe: {  	[smem:$0x3FA5] =	sst s6  }
0xf: {  	[smem:$0x3FA6] =	sst s7  }
0x10: {  	[smem:$0x3FA7] =	sst s8  }
0x11: {  	[smem:$0x3FA8] =	sst s9;
	s0 =	simm.s32 @!p0 $0x0  }
0x12: {  	s1 =	sld [smem:$0x3F8E];
	s0 =	simm.s32 @p0 $0x1  }
0x13: {  	[smem:$0x3FA9] =	sst s0;
	s0 =	simm.s32 @!p1 $0x0  }
0x14: {  	s2 =	sld [smem:$0x3F8D];
	s0 =	simm.s32 @p1 $0x1  }
0x15: {  	[smem:$0x3FAA] =	sst s0;
	s0 =	simm.s32 @!p2 $0x0  }
0x16: {  	s3 =	sld [smem:$0x3FDB];
	s0 =	simm.s32 @p2 $0x1  }
0x17: {  	s4 =	simm.s32 $0x1BF5;
	[smem:$0x3FAC] =	sst s0  }
0x18: {  	s0 =	sld [smem:$0x3F8F];
	_ =	swait.ge [sflag:s4], $0x0  }
0x19: {  	s7 =	sld [smem:$0x3F90]  }
0x1a: {  	s8 =	sadd.s32 $0xFFFFE003, lr  }
0x1b: {  	s9 =	sadd.s32 $0xFFFFFEF7, lr;
	s5 =	simm.s32 $0xFFFFFFFF;
	p2 =	slt.u32 s8, $0xFFFFF086  }
0x1c: {  	p1 =	slt.u32 s9, $0xF7A;
	s5 =	simm.s32 @!p2 $0x0  }
0x1d: {  	s5 =	simm.s32 @p1 $0x1;
	p0 =	seq.s32 s7, s2  }
0x1e: {  	s7 =	smul.u32 @!p0 $0xF7A, s2;
	p2 =	seq.s32 @!p0 s5, $0x0  }
0x1f: {  	s9 =	smul.u32 $0xF7A, s1;
	s8 =	simm.s32 @!p0 $0x1BF5;
	p2 =	por !p2, p0  }
0x20: {  	[sflag:s8] =	ssyncset.s32 @!p0 $0xFFFFF086;
	s6 =	sadd.s32 @!p0 s3, s7;
	s7 =	simm.s32 @!p0 $0x108  }
0x21: {  	s3 =	sadd.s32 s3, s9;
	s6 =	sadd.s32 @!p0 $0x88, s6;
	s7 =	simm.s32 @p2 $0x1082  }
0x22: {  	[simem:s7], [sflag:s8] =	dma.local @!p0 [hbm:s6], $0xF7A  }
0x23: {  	s9 =	sor.u32 $0xD0000000, s2;
	s6 =	simm.s32 $0x108;
	_ =	swait.ge @!p0 [sflag:s8], $0x0  }
0x24: {  	s3 =	sadd.s32 $0x88, s3;
	s6 =	simm.s32 @!p1 $0x1082;
	[sflag:s4] =	ssyncset.s32 $0xFFFFF086  }
0x25: {  	[simem:s6], [sflag:s4] =	dma.local [hbm:s3], $0xF7A  }
0x26: {  	[smem:$0x3F90] =	sst s1;
	(tag) =	ssettag s2;
	_ =	strace s9  }
0x27: {  	s1 =	sld [smem:$0x3FA0]  }
0x28: {  	s2 =	sld [smem:$0x3FA1]  }
0x29: {  	s4 =	sld [smem:$0x3FA3]  }
0x2a: {  	p0 =	seq.s32 s5, $0x0;
	s5 =	sld [smem:$0x3FA4]  }
0x2b: {  	s6 =	sld [smem:$0x3FA5]  }
0x2c: {  	s7 =	sld [smem:$0x3FA6]  }
0x2d: {  	s3 =	simm.s32 $0x108;
	s8 =	sld [smem:$0x3FA7]  }
0x2e: {  	s3 =	simm.s32 @!p0 $0x1082;
	s9 =	sld [smem:$0x3FA8]  }
0x2f: {  	lr =	sadd.s32 s0, s3;
	s0 =	sld [smem:$0x3F9F]  }
0x30: {  	s3 =	sld [smem:$0x3FA2]  }
0x31: {  	[smem:$0x3FAB] =	sst s10  }
0x32: {  	s10 =	sld [smem:$0x3FA9];
	_ =	sdelay $0x3  }
0x33: {  	p0 =	seq.s32 s10, $0x1;
	s10 =	sld [smem:$0x3FAB];
	_ =	sdelay $0x3  }
0x34: {  	[smem:$0x3FAB] =	sst s10  }
0x35: {  	s10 =	sld [smem:$0x3FAA];
	_ =	sdelay $0x3  }
0x36: {  	p1 =	seq.s32 s10, $0x1;
	s10 =	sld [smem:$0x3FAB];
	_ =	sdelay $0x3  }
0x37: {  	[smem:$0x3FAB] =	sst s10  }
0x38: {  	s10 =	sld [smem:$0x3FAC]  }
0x39: {  	_ = 	snop;
	(pc) =	sbr.ind lr, $3  }
0x3a: {  	_ = 	snop  }
0x3b: {  	_ = 	snop  }
0x3c: {  	p2 =	seq.s32 s10, $0x1;
	s10 =	sld [smem:$0x3FAB]  }
0x3d: {  	_ =	shalt  }
0x3e: {  	_ =	shalt  }
0x3f: {  	_ =	shalt  }
0x40: {  	_ =	shalt  }
0x41: {  	_ =	shalt  }
0x42: {  	_ =	shalt  }
0x43: {  	_ =	shalt  }
0x44: {  	_ =	shalt  }
0x45: {  	_ =	shalt  }
0x46: {  	_ =	shalt  }
0x47: {  	_ =	shalt  }
0x48: {  	_ =	shalt  }
0x49: {  	_ =	shalt  }
0x4a: {  	_ =	shalt  }
0x4b: {  	_ =	shalt  }
0x4c: {  	_ =	shalt  }
0x4d: {  	_ =	shalt  }
0x4e: {  	_ =	shalt  }
0x4f: {  	_ =	shalt  }
0x50: {  	_ =	shalt  }
0x51: {  	_ =	shalt  }
0x52: {  	_ =	shalt  }
0x53: {  	_ =	shalt  }
0x54: {  	_ =	shalt  }
0x55: {  	_ =	shalt  }
0x56: {  	_ =	shalt  }
0x57: {  	_ =	shalt  }
0x58: {  	_ =	shalt  }
0x59: {  	_ =	shalt  }
0x5a: {  	_ =	shalt  }
0x5b: {  	_ =	shalt  }
0x5c: {  	_ =	shalt  }
0x5d: {  	_ =	shalt  }
0x5e: {  	_ =	shalt  }
0x5f: {  	_ =	shalt  }
0x60: {  	_ =	shalt  }
0x61: {  	_ =	shalt  }
0x62: {  	_ =	shalt  }
0x63: {  	_ =	shalt  }
0x64: {  	_ =	shalt  }
0x65: {  	_ =	shalt  }
0x66: {  	_ =	shalt  }
0x67: {  	_ =	shalt  }
0x68: {  	_ =	shalt  }
0x69: {  	_ =	shalt  }
0x6a: {  	_ =	shalt  }
0x6b: {  	_ =	shalt  }
0x6c: {  	_ =	shalt  }
0x6d: {  	_ =	shalt  }
0x6e: {  	_ =	shalt  }
0x6f: {  	_ =	shalt  }
0x70: {  	_ =	shalt  }
0x71: {  	_ =	shalt  }
0x72: {  	_ =	shalt  }
0x73: {  	_ =	shalt  }
0x74: {  	_ =	shalt  }
0x75: {  	_ =	shalt  }
0x76: {  	_ =	shalt  }
0x77: {  	_ =	shalt  }
0x78: {  	_ =	shalt  }
0x79: {  	_ =	shalt  }
0x7a: {  	_ =	shalt  }
0x7b: {  	_ =	shalt  }
0x7c: {  	_ =	shalt  }
0x7d: {  	_ =	shalt  }
0x7e: {  	_ =	shalt  }
0x7f: {  	_ =	shalt  }
0x80: {  	_ =	shalt  }
0x81: {  	_ =	shalt  }
0x82: {  	_ =	shalt  }
0x83: {  	_ =	shalt  }
0x84: {  	_ =	shalt  }
0x85: {  	_ =	shalt  }
0x86: {  	_ =	shalt  }
0x87: {  	_ =	shalt  }
.Lfunc_end0:
.L_simem_size_0:
called_computation.1_lowered:
.L_overlay_start_0:
0x88: {  	s2 =	sld [smem:$0x3FD9]  }
0x89: {  	s3 =	sld [smem:$0x3FFE];
	_ =	sdelay $0x1  }
0x8a: {  	s1 =	srdreg.scid  }
0x8b: {  	s0 =	sand.u32 $0x1, s1  }
0x8c: {  	s17 =	sshll.u32 s0, $0xA;
	s2 =	sadd.s32 s3, s2  }
0x8d: {  	s2 =	sadd.s32 s2, s17  }
0x8e: {  	[smem:$0x3FB7] =	sst s2  }
0x8f: {  	_ = 	snop  }
0x90: {  	s18 =	sld [smem:$0x3FBA]  }
0x91: {  	s4 =	sld [smem:$0x3FB9];
	(tm) =	ssettm $0x1  }
0x92: {  	s19 =	sld [smem:$0x3FFB];
	_ =	sdelay $0x3  }
0x93: {  	_ =	strace s19  }
0x94: {  	s2 =	sld [smem:$0x3FFC];
	_ =	sdelay $0x3  }
0x95: {  	_ =	strace s2  }
0x96: {  	s2 =	sld [smem:$0x3FFD];
	_ =	sdelay $0x3  }
0x97: {  	_ =	strace s2  }
0x98: {  	_ =	strace $0x8FFFFFFF  }
0x99: {  	s20 =	sld [smem:$0x3FDB];
	_ =	sdelay $0x1  }
0x9a: {  	s5 =	simm.s32 $_scs_section_size  }
0x9b: {  	s6 =	simm.s32 $_size__tile_overlayer_lowered;
	s7 =	simm.s32 $_tile_overlayer_lowered  }
0x9c: {  	s8 =	simm.s32 $0x1BFF;
	s21 =	sshll.u32 s7, $0x1;
	s5 =	sadd.s32 s5, s20  }
0x9d: {  	s22 =	simm.s32 $0x0;
	s6 =	sshll.u32 s6, $0x1;
	s7 =	sadd.s32 s21, s5  }
0x9e: {  	[timem:s22], [sflag:s8] =	dma.local [hbm:s7], s6  }
0x9f: {  	_ =	swait.ge [sflag:s8], s6  }
0xa0: {  	s6 =	ssub.s32 $0x0, s6;
	[sflag:s8] =	ssyncset.done $0x0  }
0xa1: {  	[sflag:s8] =	ssyncadd.s32 s6;
	_ =	sdelay $0x1  }
0xa2: {  	s23 =	simm.s32 $0x1B8B  }
0xa3: {  	_ =	swait.ge [sflag:s23], $0x1  }
0xa4: {  	[sflag:s23] =	ssyncset.done $0x0  }
0xa5: {  	[sflag:s23] =	ssyncadd.s32 $0xFFFFFFFF  }
0xa6: {  	s6 =	sld [smem:$0x0]  }
0xa7: {  	s7 =	sand.u32 $0xFFFFFFFE, s1  }
0xa8: {  	p0 =	sne.s32 s1, s7  }
0xa9: {  	s7 =	sshll.u32 @p0 s7, $0xE  }
0xaa: {  	s7 =	sadd.s32 @p0 $0x11B8D, s7;
	s8 =	sshll.u32 @p0 s6, $0x11  }
0xab: {  	s7 =	sor.u32 @p0 s8, s7  }
0xac: {  	[sflag:s7] =	ssyncadd.remote.s32 @p0 $0x1;
	_ =	sdelay $0x1  }
0xad: {  	s7 =	simm.s32 @p0 $0x1B8D  }
0xae: {  	_ =	swait.eq @p0 [sflag:s7], $0x1  }
0xaf: {  	[sflag:s7] =	ssyncadd.s32 @p0 $0xFFFFFFFF  }
0xb0: {  	s8 =	sshll.u32 @!p0 s1, $0xE  }
0xb1: {  	s8 =	sor.u32 @!p0 $0x4000, s8;
	s7 =	simm.s32 @!p0 $0x1B8D  }
0xb2: {  	s6 =	sshll.u32 @!p0 s6, $0x11;
	s8 =	sadd.s32 @!p0 $0x11B8D, s8;
	_ =	swait.eq @!p0 [sflag:s7], $0x1  }
0xb3: {  	s6 =	sor.u32 @!p0 s6, s8;
	[sflag:s7] =	ssyncadd.s32 @!p0 $0xFFFFFFFF  }
0xb4: {  	s25 =	simm.s32 $0x1B8E;
	s24 =	sld [smem:$0x3FFE];
	[sflag:s6] =	ssyncadd.remote.s32 @!p0 $0x1  }
0xb5: {  	s26 =	simm.s32 $execute0_lowered;
	[smem:$0x3FD2] =	sst s25  }
0xb6: {  	s7 =	sshll.u32 s26, $0x1;
	_ =	strace $0x80000049;
	[dreg:$0x1] =	wrdreg $0xFFFFFFFF  }
0xb7: {  	s28 =	simm.s32 $_size_execute0_lowered;
	s5 =	sadd.s32 s5, s7;
	[dreg:$0x0] =	wrdreg $0x0  }
0xb8: {  	s7 =	sshll.u32 s28, $0x1;
	[dreg:$0x2] =	wrdreg s5  }
0xb9: {  	[dreg:$0x3] =	wrdreg s7  }
0xba: {  	[dreg:$0x4] =	wrdreg $0xC0  }
0xbb: {  	_ =	task [dreg:s22], $0x5FFFF  }
0xbc: {  	[dreg:$0x1] =	wrdreg $0xFFFFFFFF  }
0xbd: {  	[dreg:$0x0] =	wrdreg $0x60  }
0xbe: {  	[dreg:$0x2] =	wrdreg s24  }
0xbf: {  	[dreg:$0x3] =	wrdreg s4  }
0xc0: {  	[dreg:$0x4] =	wrdreg s18  }
0xc1: {  	[dreg:$0x5] =	wrdreg $0xA  }
0xc2: {  	_ =	task.clear_ibuf [dreg:s22], $0x6FFFF;
	_ =	strace $0x90000049  }
0xc3: {  	s29 =	simm.s32 $0xA;
	_ =	strace $0x8000004B  }
0xc4: {  	_ =	swait.ge [sflag:s29], $0x1  }
0xc5: {  	[sflag:s29] =	ssyncadd.s32 $0xFFFFFFFF  }
0xc6: {  	_ =	strace $0x9000004B  }
0xc7: {  	_ =	sfence  }
0xc8: {  	s30 =	sld [smem:$0x0];
	_ =	sdelay $0x2  }
0xc9: {  	s31 =	sshll.u32 s1, $0xD;
	s1 =	sshrl.u32 s1, $0x2  }
0xca: {  	s4 =	sand.u32 $0x4000, s31;
	s1 =	sadd.s32 s1, s30  }
0xcb: {  	s0 =	sor.u32 s4, s0;
	s1 =	sshll.u32 s1, $0x11  }
0xcc: {  	s0 =	sor.u32 s1, s0  }
0xcd: {  	s0 =	sadd.s32 $0x8F2B, s0  }
0xce: {  	[sflag:s0] =	ssyncadd.remote.s32 $0x1  }
0xcf: {  	_ =	sfence.sel $0xFFFF  }
0xd0: {  	[dreg:$0x0] =	wrdreg $0xFFFFFFFF;
	(pc) =	sbr.abs _section_cstart, $3  }
0xd1: {  	[dreg:$0x1] =	wrdreg $0xFFFFFFFF  }
0xd2: {  	_ =	task.clear_ibuf [dreg:s22], $0x2FFFF;
	_ =	strace $0x9FFFFFFF  }
0xd3: {  	(tm) =	ssettm $0x7FFFFFFF  }
tec
execute0_lowered:
.L_overlay_start_1:
0x0: {  	(tag) =	ssettag $0x1  }
0x1: {  	s5 =	rddreg [dreg:$0x0]  }
0x2: {  	s2 =	rddreg [dreg:$0x1]  }
0x3: {  	s3 =	rddreg [dreg:$0x2];
	s4 =	simm.s32 $0x0  }
0x4: {  	s14 =	simm.s32 $0x880;
	[smem:$0x7FF] =	sst s4  }
0x5: {  	s15 =	simm.s32 $0x1080;
	_ =	strace $0x8000004A;
	[dreg:$0x9] =	wrdreg s14  }
0x6: {  	s16 =	simm.s32 $0x1880;
	[dreg:$0xa] =	wrdreg s15  }
0x7: {  	s17 =	simm.s32 $0x2080;
	[dreg:$0xb] =	wrdreg s16  }
0x8: {  	s18 =	simm.s32 $0x2880;
	[dreg:$0xc] =	wrdreg s17  }
0x9: {  	s19 =	simm.s32 $0x3080;
	[dreg:$0xd] =	wrdreg s18  }
0xa: {  	s20 =	simm.s32 $0x3880;
	[dreg:$0xe] =	wrdreg s19  }
0xb: {  	s21 =	simm.s32 $0x4080;
	[dreg:$0xf] =	wrdreg s20  }
0xc: {  	s22 =	simm.s32 $0x4880;
	[dreg:$0x10] =	wrdreg s21  }
0xd: {  	s23 =	simm.s32 $0x5080;
	[dreg:$0x11] =	wrdreg s22  }
0xe: {  	s24 =	simm.s32 $0x5880;
	[dreg:$0x12] =	wrdreg s23  }
0xf: {  	s25 =	simm.s32 $0x6080;
	[dreg:$0x13] =	wrdreg s24  }
0x10: {  	s0 =	stileid.u32;
	s26 =	simm.s32 $0x6880;
	[dreg:$0x14] =	wrdreg s25  }
0x11: {  	s6 =	sshll.u32 s0, $0x8;
	s0 =	simm.s32 $0x7080;
	[dreg:$0x15] =	wrdreg s26  }
0x12: {  	[dreg:$0x16] =	wrdreg s0;
	s14 =	simm.s32 $0xB880  }
0x13: {  	s15 =	simm.s32 $0xC880;
	[dreg:$0x1f] =	wrdreg s14  }
0x14: {  	s16 =	simm.s32 $0xD080;
	[smem:$0x7F3] =	sst s15  }
0x15: {  	s1 =	srdreg.scid;
	s18 =	simm.s32 $0xD880;
	[smem:$0x7F4] =	sst s16  }
0x16: {  	s28 =	simm.s32 $0x3;
	s19 =	simm.s32 $0xE080;
	[smem:$0x7F5] =	sst s18  }
0x17: {  	s29 =	simm.s32 $0x2;
	s20 =	simm.s32 $0xE880;
	[smem:$0x7F6] =	sst s19  }
0x18: {  	s30 =	simm.s32 $0x4;
	s21 =	simm.s32 $0xF080;
	[smem:$0x7F7] =	sst s20  }
0x19: {  	s31 =	simm.s32 $0x5;
	s22 =	simm.s32 $0xF880;
	[smem:$0x7F8] =	sst s21  }
0x1a: {  	s1 =	sand.u32 $0x1, s1;
	s23 =	simm.s32 $0x10080;
	[smem:$0x7F9] =	sst s22  }
0x1b: {  	s9 =	sadd.s32 $0x46000, s5;
	s24 =	simm.s32 $0x10880;
	[smem:$0x7FA] =	sst s23  }
0x1c: {  	s7 =	sshll.u32 s1, $0x7;
	s25 =	simm.s32 $0x11080;
	[smem:$0x7FB] =	sst s24  }
0x1d: {  	s1 =	ssub.s32 $0x2, s1;
	s26 =	simm.s32 $0x11880;
	[smem:$0x7FC] =	sst s25  }
0x1e: {  	s6 =	sor.u32 s7, s6;
	s17 =	sshrl.u32 s1, $0x1;
	[smem:$0x7FD] =	sst s26  }
0x1f: {  	s14 =	simm.s32 $0x12880;
	s15 =	simm.s32 $0x13080;
	s16 =	simm.s32 $0x13880  }
0x20: {  	s18 =	simm.s32 $0x14880;
	s19 =	simm.s32 $0x15080;
	s20 =	simm.s32 $0x15880  }
0x21: {  	s21 =	simm.s32 $0x16080;
	s22 =	simm.s32 $0x16880;
	s23 =	simm.s32 $0x17080  }
0x22: {  	s24 =	simm.s32 $0x17880;
	s25 =	simm.s32 $0x1A080;
	s7 =	sshrl.u32 s6, $0x3  }
0x23: {  	s6 =	sshll.u32 s6, $0x4;
	s8 =	sadd.s32 s7, s5;
	s10 =	smul.u32 $0x300, s7  }
0x24: {  	s5 =	sadd.s32 $0x15800, s5;
	s7 =	sor.u32 $0x8, s7;
	s8 =	sadd.s32 $0x5600, s8  }
0x25: {  	s12 =	smul.u32 $0x300, s7;
	s6 =	sadd.s32 s5, s6;
	[dreg:$0x4] =	wrdreg s8  }
0x26: {  	s7 =	sshll.u32 s7, $0x7;
	s11 =	sadd.s32 s9, s10;
	[dreg:$0x6] =	wrdreg s6  }
0x27: {  	s26 =	simm.s32 $0x1;
	s5 =	sadd.s32 s5, s7;
	[dreg:$0x5] =	wrdreg s11  }
0x28: {  	s1 =	ssub.s32 s1, s17;
	s6 =	simm.s32 $0x7880;
	[dreg:$0x8] =	wrdreg s5  }
0x29: {  	s17 =	simm.s32 $0x14080;
	s7 =	simm.s32 $0x8080;
	[dreg:$0x17] =	wrdreg s6  }
0x2a: {  	s8 =	simm.s32 $0x8880;
	s10 =	simm.s32 $0x9880;
	[dreg:$0x18] =	wrdreg s7  }
0x2b: {  	s13 =	sadd.s32 s9, s12;
	[dreg:$0x19] =	wrdreg s8;
	s9 =	simm.s32 $0x9080  }
0x2c: {  	[dreg:$0x1b] =	wrdreg s10;
	s11 =	simm.s32 $0xA080;
	s12 =	simm.s32 $0xA880  }
0x2d: {  	s5 =	sadd.s32 $0x100, s2;
	s6 =	sadd.s32 $0x200, s2;
	[dreg:$0x7] =	wrdreg s13  }
0x2e: {  	s7 =	smax.u32 s1, $0x1;
	s8 =	simm.s32 $0x7;
	[dreg:$0x1a] =	wrdreg s9  }
0x2f: {  	v2 =	vlaneseq.u32;
	s10 =	simm.s32 $0x40;
	s1 =	simm.s32 $0x6;
	[dreg:$0x1c] =	wrdreg s11  }
0x30: {  	vm0 =	vmmov $0xffff;
	v1 =	vshrl.u32 v2, $0x3;
	[dreg:$0x1d] =	wrdreg s12;
	s13 =	simm.s32 $0xB080;
	s9 =	simm.s32 $0x80  }
0x31: {  	v0 =	vand.u32 $0x7, v2;
	v2 =	vor.u32 $0x8, v2;
	v1 =	vmul.u32 $0x8, v1;
	s11 =	simm.s32 $0x18080;
	s12 =	simm.s32 $0xC080;
	[dreg:$0x1e] =	wrdreg s13  }
.LBB2_1:
0x32: {  	s0 =	rddreg [dreg:$0x4]  }
0x33: {  	[tilespmem:s4], [sflag:$0x7] =	stream.linear.gather [hbm4b:s0+s4], $0x80, $0x38;
	[tilespmem:$0x1C080] =	vst v63  }
0x34: {  	_ =	swait.ge [sflag:s8], $0x80  }
0x35: {  	[sflag:s8] =	ssyncset.done $0x0  }
0x36: {  	[sflag:s8] =	ssyncadd.s32 $0xFFFFFF80  }
0x37: {  	v3 =	vld [tilespmem:$0x0];
	_ =	sdelay $0x4  }
0x38: {  	v4 =	vshrl.u32 v3, $0x3  }
0x39: {  	v4 =	vmul.u32 $0x30, v4  }
0x3a: {  	v3 =	vand.u32 $0x7, v3  }
0x3b: {  	v3 =	vor.u32 v3, v4  }
0x3c: {  	v4 =	vperm.xlane v3, v0;
	_ =	sdelay $0x1  }
0x3d: {  	v4 =	vadd.s32 v1, v4;
	_ =	sdelay $0x3  }
0x3e: {  	v3 =	vperm.xlane v3, v2  }
0x3f: {  	[tilespmem:s9], [sflag:$0x1] =	stream.indirect_vreg.gather [hbm4b:s2+s4], $0x80, v4, vm0, $0xb8;
	[tilespmem:$0x1C080] =	vst v63  }
0x40: {  	s0 =	rddreg [dreg:$0x9];
	v3 =	vadd.s32 v1, v3  }
0x41: {  	[tilespmem:s0], [sflag:$0x1] =	stream.indirect_vreg.gather [hbm4b:s5+s4], $0x80, v4, vm0, $0xb8;
	[tilespmem:$0x1C080] =	vst v63  }
0x42: {  	s13 =	rddreg [dreg:$0xa]  }
0x43: {  	[tilespmem:s13], [sflag:$0x1] =	stream.indirect_vreg.gather [hbm4b:s6+s4], $0x80, v4, vm0, $0xb8;
	[tilespmem:$0x1C080] =	vst v63  }
0x44: {  	s0 =	rddreg [dreg:$0xb]  }
0x45: {  	[tilespmem:s0], [sflag:$0x1] =	stream.indirect_vreg.gather [hbm4b:s2+s4], $0x80, v3, vm0, $0xb8;
	[tilespmem:$0x1C080] =	vst v63  }
0x46: {  	s13 =	rddreg [dreg:$0xc]  }
0x47: {  	[tilespmem:s13], [sflag:$0x1] =	stream.indirect_vreg.gather [hbm4b:s5+s4], $0x80, v3, vm0, $0xb8;
	[tilespmem:$0x1C080] =	vst v63  }
0x48: {  	s0 =	rddreg [dreg:$0xd]  }
0x49: {  	[tilespmem:s0], [sflag:$0x1] =	stream.indirect_vreg.gather [hbm4b:s6+s4], $0x80, v3, vm0, $0xb8;
	[tilespmem:$0x1C080] =	vst v63  }
0x4a: {  	v3 =	vld [tilespmem:$0x10];
	_ =	sdelay $0x4  }
0x4b: {  	v57 =	vshrl.u32 v3, $0x3  }
0x4c: {  	v4 =	vmul.u32 $0x30, v57  }
0x4d: {  	v3 =	vand.u32 $0x7, v3  }
0x4e: {  	v3 =	vor.u32 v3, v4  }
0x4f: {  	v4 =	vperm.xlane v3, v0;
	_ =	sdelay $0x1  }
0x50: {  	v4 =	vadd.s32 v1, v4;
	_ =	sdelay $0x3  }
0x51: {  	s0 =	rddreg [dreg:$0xe];
	v3 =	vperm.xlane v3, v2  }
0x52: {  	[tilespmem:s0], [sflag:$0x1] =	stream.indirect_vreg.gather [hbm4b:s2+s4], $0x80, v4, vm0, $0xb8;
	[tilespmem:$0x1C080] =	vst v63  }
0x53: {  	s13 =	rddreg [dreg:$0xf];
	v3 =	vadd.s32 v1, v3  }
0x54: {  	[tilespmem:s13], [sflag:$0x1] =	stream.indirect_vreg.gather [hbm4b:s5+s4], $0x80, v4, vm0, $0xb8;
	[tilespmem:$0x1C080] =	vst v63  }
0x55: {  	s0 =	rddreg [dreg:$0x10]  }
0x56: {  	[tilespmem:s0], [sflag:$0x1] =	stream.indirect_vreg.gather [hbm4b:s6+s4], $0x80, v4, vm0, $0xb8;
	[tilespmem:$0x1C080] =	vst v63  }
0x57: {  	s13 =	rddreg [dreg:$0x11]  }
0x58: {  	[tilespmem:s13], [sflag:$0x1] =	stream.indirect_vreg.gather [hbm4b:s2+s4], $0x80, v3, vm0, $0xb8;
	[tilespmem:$0x1C080] =	vst v63  }
0x59: {  	s0 =	rddreg [dreg:$0x12]  }
0x5a: {  	[tilespmem:s0], [sflag:$0x1] =	stream.indirect_vreg.gather [hbm4b:s5+s4], $0x80, v3, vm0, $0xb8;
	[tilespmem:$0x1C080] =	vst v63  }
0x5b: {  	s13 =	rddreg [dreg:$0x13]  }
0x5c: {  	[tilespmem:s13], [sflag:$0x1] =	stream.indirect_vreg.gather [hbm4b:s6+s4], $0x80, v3, vm0, $0xb8;
	[tilespmem:$0x1C080] =	vst v63  }
0x5d: {  	v3 =	vld [tilespmem:$0x20];
	_ =	sdelay $0x4  }
0x5e: {  	v58 =	vshrl.u32 v3, $0x3  }
0x5f: {  	v4 =	vmul.u32 $0x30, v58  }
0x60: {  	v3 =	vand.u32 $0x7, v3  }
0x61: {  	v3 =	vor.u32 v3, v4  }
0x62: {  	v4 =	vperm.xlane v3, v0;
	_ =	sdelay $0x1  }
0x63: {  	v4 =	vadd.s32 v1, v4;
	_ =	sdelay $0x3  }
0x64: {  	s0 =	rddreg [dreg:$0x14];
	v3 =	vperm.xlane v3, v2  }
0x65: {  	[tilespmem:s0], [sflag:$0x1] =	stream.indirect_vreg.gather [hbm4b:s2+s4], $0x80, v4, vm0, $0xb8;
	[tilespmem:$0x1C080] =	vst v63  }
0x66: {  	s13 =	rddreg [dreg:$0x15];
	v3 =	vadd.s32 v1, v3  }
0x67: {  	[tilespmem:s13], [sflag:$0x1] =	stream.indirect_vreg.gather [hbm4b:s5+s4], $0x80, v4, vm0, $0xb8;
	[tilespmem:$0x1C080] =	vst v63  }
0x68: {  	s0 =	rddreg [dreg:$0x16]  }
0x69: {  	[tilespmem:s0], [sflag:$0x1] =	stream.indirect_vreg.gather [hbm4b:s6+s4], $0x80, v4, vm0, $0xb8;
	[tilespmem:$0x1C080] =	vst v63  }
0x6a: {  	s13 =	rddreg [dreg:$0x17]  }
0x6b: {  	[tilespmem:s13], [sflag:$0x1] =	stream.indirect_vreg.gather [hbm4b:s2+s4], $0x80, v3, vm0, $0xb8;
	[tilespmem:$0x1C080] =	vst v63  }
0x6c: {  	s0 =	rddreg [dreg:$0x18]  }
0x6d: {  	[tilespmem:s0], [sflag:$0x1] =	stream.indirect_vreg.gather [hbm4b:s5+s4], $0x80, v3, vm0, $0xb8;
	[tilespmem:$0x1C080] =	vst v63  }
0x6e: {  	s13 =	rddreg [dreg:$0x19]  }
0x6f: {  	[tilespmem:s13], [sflag:$0x1] =	stream.indirect_vreg.gather [hbm4b:s6+s4], $0x80, v3, vm0, $0xb8;
	[tilespmem:$0x1C080] =	vst v63  }
0x70: {  	v3 =	vld [tilespmem:$0x30];
	_ =	sdelay $0x4  }
0x71: {  	v59 =	vshrl.u32 v3, $0x3  }
0x72: {  	v4 =	vmul.u32 $0x30, v59  }
0x73: {  	v3 =	vand.u32 $0x7, v3  }
0x74: {  	v3 =	vor.u32 v3, v4  }
0x75: {  	v4 =	vperm.xlane v3, v0;
	_ =	sdelay $0x1  }
0x76: {  	v4 =	vadd.s32 v1, v4;
	_ =	sdelay $0x3  }
0x77: {  	s0 =	rddreg [dreg:$0x1a];
	v3 =	vperm.xlane v3, v2  }
0x78: {  	[tilespmem:s0], [sflag:$0x1] =	stream.indirect_vreg.gather [hbm4b:s2+s4], $0x80, v4, vm0, $0xb8;
	[tilespmem:$0x1C080] =	vst v63  }
0x79: {  	s13 =	rddreg [dreg:$0x1b];
	v3 =	vadd.s32 v1, v3  }
0x7a: {  	[tilespmem:s13], [sflag:$0x1] =	stream.indirect_vreg.gather [hbm4b:s5+s4], $0x80, v4, vm0, $0xb8;
	[tilespmem:$0x1C080] =	vst v63  }
0x7b: {  	s0 =	rddreg [dreg:$0x1c]  }
0x7c: {  	[tilespmem:s0], [sflag:$0x1] =	stream.indirect_vreg.gather [hbm4b:s6+s4], $0x80, v4, vm0, $0xb8;
	[tilespmem:$0x1C080] =	vst v63  }
0x7d: {  	s13 =	rddreg [dreg:$0x1d]  }
0x7e: {  	[tilespmem:s13], [sflag:$0x1] =	stream.indirect_vreg.gather [hbm4b:s2+s4], $0x80, v3, vm0, $0xb8;
	[tilespmem:$0x1C080] =	vst v63  }
0x7f: {  	s0 =	rddreg [dreg:$0x1e]  }
0x80: {  	[tilespmem:s0], [sflag:$0x1] =	stream.indirect_vreg.gather [hbm4b:s5+s4], $0x80, v3, vm0, $0xb8;
	[tilespmem:$0x1C080] =	vst v63  }
0x81: {  	s13 =	rddreg [dreg:$0x1f]  }
0x82: {  	[tilespmem:s13], [sflag:$0x1] =	stream.indirect_vreg.gather [hbm4b:s6+s4], $0x80, v3, vm0, $0xb8;
	[tilespmem:$0x1C080] =	vst v63  }
0x83: {  	_ = 	snop  }
0x84: {  	[tilespmem:s11], [sflag:$0x3] =	stream.indirect.gather [hbm4b:s3+s10], $0x80, s4, s10, $0xb8;
	[tilespmem:$0x1C080] =	vst v63  }
0x85: {  	v3 =	vld [tilespmem:$0x40];
	_ =	sdelay $0x4  }
0x86: {  	v60 =	vshrl.u32 v3, $0x3  }
0x87: {  	v4 =	vmul.u32 $0x30, v60  }
0x88: {  	v3 =	vand.u32 $0x7, v3  }
0x89: {  	v3 =	vor.u32 v3, v4  }
0x8a: {  	v4 =	vperm.xlane v3, v0;
	_ =	sdelay $0x1  }
0x8b: {  	v4 =	vadd.s32 v1, v4;
	_ =	sdelay $0x3  }
0x8c: {  	s0 =	sld [smem:$0x7F3];
	v3 =	vperm.xlane v3, v2  }
0x8d: {  	[tilespmem:s12], [sflag:$0x2] =	stream.indirect_vreg.gather [hbm4b:s2+s4], $0x80, v4, vm0, $0xb8;
	[tilespmem:$0x1C080] =	vst v63  }
0x8e: {  	s13 =	sld [smem:$0x7F4];
	v3 =	vadd.s32 v1, v3  }
0x8f: {  	[tilespmem:s0], [sflag:$0x2] =	stream.indirect_vreg.gather [hbm4b:s5+s4], $0x80, v4, vm0, $0xb8;
	[tilespmem:$0x1C080] =	vst v63  }
0x90: {  	s0 =	sld [smem:$0x7F5]  }
0x91: {  	[tilespmem:s13], [sflag:$0x2] =	stream.indirect_vreg.gather [hbm4b:s6+s4], $0x80, v4, vm0, $0xb8;
	[tilespmem:$0x1C080] =	vst v63  }
0x92: {  	s13 =	sld [smem:$0x7F6]  }
0x93: {  	[tilespmem:s0], [sflag:$0x2] =	stream.indirect_vreg.gather [hbm4b:s2+s4], $0x80, v3, vm0, $0xb8;
	[tilespmem:$0x1C080] =	vst v63  }
0x94: {  	s0 =	sld [smem:$0x7F7]  }
0x95: {  	[tilespmem:s13], [sflag:$0x2] =	stream.indirect_vreg.gather [hbm4b:s5+s4], $0x80, v3, vm0, $0xb8;
	[tilespmem:$0x1C080] =	vst v63  }
0x96: {  	_ = 	snop  }
0x97: {  	[tilespmem:s0], [sflag:$0x2] =	stream.indirect_vreg.gather [hbm4b:s6+s4], $0x80, v3, vm0, $0xb8;
	[tilespmem:$0x1C080] =	vst v63  }
0x98: {  	v3 =	vld [tilespmem:$0x50];
	_ =	sdelay $0x4  }
0x99: {  	v61 =	vshrl.u32 v3, $0x3  }
0x9a: {  	v4 =	vmul.u32 $0x30, v61  }
0x9b: {  	v3 =	vand.u32 $0x7, v3  }
0x9c: {  	v3 =	vor.u32 v3, v4  }
0x9d: {  	v4 =	vperm.xlane v3, v0;
	_ =	sdelay $0x1  }
0x9e: {  	v4 =	vadd.s32 v1, v4;
	_ =	sdelay $0x1  }
0x9f: {  	s0 =	sld [smem:$0x7F8];
	_ =	sdelay $0x1  }
0xa0: {  	s13 =	sld [smem:$0x7F9];
	v3 =	vperm.xlane v3, v2  }
0xa1: {  	[tilespmem:s0], [sflag:$0x2] =	stream.indirect_vreg.gather [hbm4b:s2+s4], $0x80, v4, vm0, $0xb8;
	[tilespmem:$0x1C080] =	vst v63  }
0xa2: {  	v3 =	vadd.s32 v1, v3;
	s0 =	sld [smem:$0x7FA]  }
0xa3: {  	[tilespmem:s13], [sflag:$0x2] =	stream.indirect_vreg.gather [hbm4b:s5+s4], $0x80, v4, vm0, $0xb8;
	[tilespmem:$0x1C080] =	vst v63  }
0xa4: {  	s13 =	sld [smem:$0x7FB]  }
0xa5: {  	[tilespmem:s0], [sflag:$0x2] =	stream.indirect_vreg.gather [hbm4b:s6+s4], $0x80, v4, vm0, $0xb8;
	[tilespmem:$0x1C080] =	vst v63  }
0xa6: {  	s0 =	sld [smem:$0x7FC]  }
0xa7: {  	[tilespmem:s13], [sflag:$0x2] =	stream.indirect_vreg.gather [hbm4b:s2+s4], $0x80, v3, vm0, $0xb8;
	[tilespmem:$0x1C080] =	vst v63  }
0xa8: {  	s13 =	sld [smem:$0x7FD]  }
0xa9: {  	[tilespmem:s0], [sflag:$0x2] =	stream.indirect_vreg.gather [hbm4b:s5+s4], $0x80, v3, vm0, $0xb8;
	[tilespmem:$0x1C080] =	vst v63  }
0xaa: {  	_ = 	snop  }
0xab: {  	[tilespmem:s13], [sflag:$0x2] =	stream.indirect_vreg.gather [hbm4b:s6+s4], $0x80, v3, vm0, $0xb8;
	[tilespmem:$0x1C080] =	vst v63  }
0xac: {  	v3 =	vld [tilespmem:$0x60];
	_ =	sdelay $0x4  }
0xad: {  	v62 =	vshrl.u32 v3, $0x3  }
0xae: {  	v4 =	vmul.u32 $0x30, v62  }
0xaf: {  	v3 =	vand.u32 $0x7, v3  }
0xb0: {  	v3 =	vor.u32 v3, v4  }
0xb1: {  	v4 =	vperm.xlane v3, v0;
	_ =	sdelay $0x1  }
0xb2: {  	v4 =	vadd.s32 v1, v4;
	_ =	sdelay $0x3  }
0xb3: {  	s13 =	simm.s32 $0x12080;
	v3 =	vperm.xlane v3, v2  }
0xb4: {  	[tilespmem:s13], [sflag:$0x2] =	stream.indirect_vreg.gather [hbm4b:s2+s4], $0x80, v4, vm0, $0xb8;
	[tilespmem:$0x1C080] =	vst v63  }
0xb5: {  	v3 =	vadd.s32 v1, v3  }
0xb6: {  	[tilespmem:s14], [sflag:$0x2] =	stream.indirect_vreg.gather [hbm4b:s5+s4], $0x80, v4, vm0, $0xb8;
	[tilespmem:$0x1C080] =	vst v63  }
0xb7: {  	_ = 	snop  }
0xb8: {  	[tilespmem:s15], [sflag:$0x2] =	stream.indirect_vreg.gather [hbm4b:s6+s4], $0x80, v4, vm0, $0xb8;
	[tilespmem:$0x1C080] =	vst v63  }
0xb9: {  	_ = 	snop  }
0xba: {  	[tilespmem:s16], [sflag:$0x2] =	stream.indirect_vreg.gather [hbm4b:s2+s4], $0x80, v3, vm0, $0xb8;
	[tilespmem:$0x1C080] =	vst v63  }
0xbb: {  	_ = 	snop  }
0xbc: {  	[tilespmem:s17], [sflag:$0x2] =	stream.indirect_vreg.gather [hbm4b:s5+s4], $0x80, v3, vm0, $0xb8;
	[tilespmem:$0x1C080] =	vst v63  }
0xbd: {  	_ = 	snop  }
0xbe: {  	[tilespmem:s18], [sflag:$0x2] =	stream.indirect_vreg.gather [hbm4b:s6+s4], $0x80, v3, vm0, $0xb8;
	[tilespmem:$0x1C080] =	vst v63  }
0xbf: {  	v3 =	vld [tilespmem:$0x70];
	_ =	sdelay $0x4  }
0xc0: {  	v63 =	vshrl.u32 v3, $0x3  }
0xc1: {  	v4 =	vmul.u32 $0x30, v63  }
0xc2: {  	v3 =	vand.u32 $0x7, v3  }
0xc3: {  	v3 =	vor.u32 v3, v4  }
0xc4: {  	v4 =	vperm.xlane v3, v0;
	_ =	sdelay $0x1  }
0xc5: {  	v4 =	vadd.s32 v1, v4;
	_ =	sdelay $0x3  }
0xc6: {  	v3 =	vperm.xlane v3, v2  }
0xc7: {  	[tilespmem:s19], [sflag:$0x2] =	stream.indirect_vreg.gather [hbm4b:s2+s4], $0x80, v4, vm0, $0xb8;
	[tilespmem:$0x1C080] =	vst v63  }
0xc8: {  	v3 =	vadd.s32 v1, v3  }
0xc9: {  	[tilespmem:s20], [sflag:$0x2] =	stream.indirect_vreg.gather [hbm4b:s5+s4], $0x80, v4, vm0, $0xb8;
	[tilespmem:$0x1C080] =	vst v63  }
0xca: {  	_ = 	snop  }
0xcb: {  	[tilespmem:s21], [sflag:$0x2] =	stream.indirect_vreg.gather [hbm4b:s6+s4], $0x80, v4, vm0, $0xb8;
	[tilespmem:$0x1C080] =	vst v63  }
0xcc: {  	_ = 	snop  }
0xcd: {  	[tilespmem:s22], [sflag:$0x2] =	stream.indirect_vreg.gather [hbm4b:s2+s4], $0x80, v3, vm0, $0xb8;
	[tilespmem:$0x1C080] =	vst v63  }
0xce: {  	_ = 	snop  }
0xcf: {  	[tilespmem:s23], [sflag:$0x2] =	stream.indirect_vreg.gather [hbm4b:s5+s4], $0x80, v3, vm0, $0xb8;
	[tilespmem:$0x1C080] =	vst v63  }
0xd0: {  	_ = 	snop  }
0xd1: {  	[tilespmem:s24], [sflag:$0x2] =	stream.indirect_vreg.gather [hbm4b:s6+s4], $0x80, v3, vm0, $0xb8;
	[tilespmem:$0x1C080] =	vst v63  }
0xd2: {  	_ = 	snop  }
0xd3: {  	[tilespmem:s25], [sflag:$0x4] =	stream.indirect.gather [hbm4b:s3+s10], $0x80, s10, s10, $0xb8;
	[tilespmem:$0x1C080] =	vst v63  }
0xd4: {  	_ =	swait.ge [sflag:s26], $0xC000  }
0xd5: {  	[sflag:s26] =	ssyncset.done $0x0  }
0xd6: {  	[sflag:s26] =	ssyncadd.s32 $0xFFFF4000  }
0xd7: {  	_ =	swait.ge [sflag:s28], $0x2000  }
0xd8: {  	[sflag:s28] =	ssyncset.done $0x0  }
0xd9: {  	s0 =	rddreg [dreg:$0x5];
	[sflag:s28] =	ssyncadd.s32 $0xFFFFE000  }
0xda: {  	[hbm4b:s0+s4] =	stream.linear.scatter [tilespmem:s9], [sflag:$0x5], $0xC000, $0x38;
	[tilespmem:$0x1C080] =	vst v63  }
0xdb: {  	s13 =	rddreg [dreg:$0x6]  }
0xdc: {  	[hbm4b:s13+s4] =	stream.linear.scatter [tilespmem:s11], [sflag:$0x5], $0x2000, $0x38;
	[tilespmem:$0x1C080] =	vst v63  }
0xdd: {  	_ =	swait.ge [sflag:s29], $0xC000  }
0xde: {  	[sflag:s29] =	ssyncset.done $0x0  }
0xdf: {  	[sflag:s29] =	ssyncadd.s32 $0xFFFF4000  }
0xe0: {  	_ =	swait.ge [sflag:s30], $0x2000  }
0xe1: {  	[sflag:s30] =	ssyncset.done $0x0  }
0xe2: {  	s0 =	rddreg [dreg:$0x7];
	[sflag:s30] =	ssyncadd.s32 $0xFFFFE000  }
0xe3: {  	[hbm4b:s0+s4] =	stream.linear.scatter [tilespmem:s12], [sflag:$0x6], $0xC000, $0x38;
	[tilespmem:$0x1C080] =	vst v63  }
0xe4: {  	s13 =	rddreg [dreg:$0x8]  }
0xe5: {  	[hbm4b:s13+s4] =	stream.linear.scatter [tilespmem:s25], [sflag:$0x6], $0x2000, $0x38;
	[tilespmem:$0x1C080] =	vst v63  }
0xe6: {  	_ =	swait.ge [sflag:s31], $0xC000  }
0xe7: {  	[sflag:s31] =	ssyncset.done $0x0  }
0xe8: {  	[sflag:s31] =	ssyncadd.s32 $0xFFFF4000  }
0xe9: {  	_ =	swait.ge [sflag:s31], $0x2000  }
0xea: {  	[sflag:s31] =	ssyncset.done $0x0  }
0xeb: {  	[sflag:s31] =	ssyncadd.s32 $0xFFFFE000  }
0xec: {  	p0 =	sne.s32 s7, $0x1;
	_ =	swait.ge [sflag:s1], $0xC000  }
.Ltmp0:
0xed: {  	[sflag:s1] =	ssyncset.done $0x0;
	(pc) =	sbr.rel @p0 .LBB2_1-.Ltmp0, $4  }
0xee: {  	[sflag:s1] =	ssyncadd.s32 $0xFFFF4000  }
0xef: {  	_ =	swait.ge [sflag:s1], $0x2000  }
0xf0: {  	[sflag:s1] =	ssyncset.done $0x0  }
0xf1: {  	s7 =	sadd.s32 $0xFFFFFFFF, s7;
	[sflag:s1] =	ssyncadd.s32 $0xFFFFE000  }
0xf2: {  	_ =	sfence.sel $0x180000  }
0xf3: {  	[bflag:$0x0] =	sbarrier.arrive $0xFFFF  }
0xf4: {  	_ =	strace $0x9000004A  }
0xf5: {  	s0 =	stileid.u32;
	[bflag:$0x2] =	sbarrier.arrive $0xFFFF  }
0xf6: {  	p0 =	sne.s32 s0, $0x0;
	s0 =	rddreg [dreg:$0x3]  }
0xf7: {  	s0 =	sadd.s32 @!p0 $0x100000, s0  }
0xf8: {  	[sflag:s0] =	ssyncadd.tile.s32 @!p0 $0x1;
	_ =	shalt  }
.Lfunc_end2:
_tile_overlayer_lowered:
.L_overlay_start_2:
0xf9: {  	(tag) =	ssettag $0x2  }
0xfa: {  	s0 =	rddreg [dreg:$0x0];
	s2 =	stileid.u32  }
0xfb: {  	s1 =	rddreg [dreg:$0x1];
	p0 =	sne.s32 s2, $0x0  }
0xfc: {  	s3 =	rddreg [dreg:$0x2];
	[bflag:$0x3] =	sbarrier.arrive $0xFFFF;
	s2 =	simm.s32 @!p0 $0x1C07  }
0xfd: {  	[timem:s3], [sflag:s2] =	dma.local @!p0 [hbm:s0], s1  }
0xfe: {  	s0 =	simm.s32 @!p0 $0x7  }
0xff: {  	_ =	swait.ge @!p0 [sflag:s0], s1  }
0x100: {  	s1 =	ssub.s32 @!p0 $0x0, s1;
	[sflag:s0] =	ssyncset.done @!p0 $0x0  }
0x101: {  	[sflag:s0] =	ssyncadd.s32 @!p0 s1  }
0x102: {  	[bflag:$0x3] =	sbarrier.arrive $0xFFFF  }
0x103: {  	_ =	shalt  }

// kernel: kernel.8.cloned.1.call-start
scs
__scs_entry_jumppad:
0x0: {  	(pc) =	sbr.rel $0x88, $3  }
0x1: {  	(tag) =	ssettag $0x0;
	lr =	simm.s32 $0x1  }
0x2: {  	[smem:$0x3F90] =	sst lr;
	_ =	strace $0xD0000000  }
0x3: {  	_ = 	snop  }
0x4: {  	_ = 	snop  }
0x5: {  	_ = 	snop  }
0x6: {  	_ = 	snop  }
0x7: {  	_ = 	snop  }
__scs_overlays_trampoline_lowered:
0x8: {  	[smem:$0x3F9F] =	sst s0  }
0x9: {  	[smem:$0x3FA0] =	sst s1  }
0xa: {  	[smem:$0x3FA1] =	sst s2  }
0xb: {  	[smem:$0x3FA2] =	sst s3  }
0xc: {  	[smem:$0x3FA3] =	sst s4  }
0xd: {  	[smem:$0x3FA4] =	sst s5  }
0xe: {  	[smem:$0x3FA5] =	sst s6  }
0xf: {  	[smem:$0x3FA6] =	sst s7  }
0x10: {  	[smem:$0x3FA7] =	sst s8  }
0x11: {  	[smem:$0x3FA8] =	sst s9;
	s0 =	simm.s32 @!p0 $0x0  }
0x12: {  	s1 =	sld [smem:$0x3F8E];
	s0 =	simm.s32 @p0 $0x1  }
0x13: {  	[smem:$0x3FA9] =	sst s0;
	s0 =	simm.s32 @!p1 $0x0  }
0x14: {  	s2 =	sld [smem:$0x3F8D];
	s0 =	simm.s32 @p1 $0x1  }
0x15: {  	[smem:$0x3FAA] =	sst s0;
	s0 =	simm.s32 @!p2 $0x0  }
0x16: {  	s3 =	sld [smem:$0x3FDB];
	s0 =	simm.s32 @p2 $0x1  }
0x17: {  	s4 =	simm.s32 $0x1BF5;
	[smem:$0x3FAC] =	sst s0  }
0x18: {  	s0 =	sld [smem:$0x3F8F];
	_ =	swait.ge [sflag:s4], $0x0  }
0x19: {  	s7 =	sld [smem:$0x3F90]  }
0x1a: {  	s8 =	sadd.s32 $0xFFFFE003, lr  }
0x1b: {  	s9 =	sadd.s32 $0xFFFFFEF7, lr;
	s5 =	simm.s32 $0xFFFFFFFF;
	p2 =	slt.u32 s8, $0xFFFFF086  }
0x1c: {  	p1 =	slt.u32 s9, $0xF7A;
	s5 =	simm.s32 @!p2 $0x0  }
0x1d: {  	s5 =	simm.s32 @p1 $0x1;
	p0 =	seq.s32 s7, s2  }
0x1e: {  	s7 =	smul.u32 @!p0 $0xF7A, s2;
	p2 =	seq.s32 @!p0 s5, $0x0  }
0x1f: {  	s9 =	smul.u32 $0xF7A, s1;
	s8 =	simm.s32 @!p0 $0x1BF5;
	p2 =	por !p2, p0  }
0x20: {  	[sflag:s8] =	ssyncset.s32 @!p0 $0xFFFFF086;
	s6 =	sadd.s32 @!p0 s3, s7;
	s7 =	simm.s32 @!p0 $0x108  }
0x21: {  	s3 =	sadd.s32 s3, s9;
	s6 =	sadd.s32 @!p0 $0x88, s6;
	s7 =	simm.s32 @p2 $0x1082  }
0x22: {  	[simem:s7], [sflag:s8] =	dma.local @!p0 [hbm:s6], $0xF7A  }
0x23: {  	s9 =	sor.u32 $0xD0000000, s2;
	s6 =	simm.s32 $0x108;
	_ =	swait.ge @!p0 [sflag:s8], $0x0  }
0x24: {  	s3 =	sadd.s32 $0x88, s3;
	s6 =	simm.s32 @!p1 $0x1082;
	[sflag:s4] =	ssyncset.s32 $0xFFFFF086  }
0x25: {  	[simem:s6], [sflag:s4] =	dma.local [hbm:s3], $0xF7A  }
0x26: {  	[smem:$0x3F90] =	sst s1;
	(tag) =	ssettag s2;
	_ =	strace s9  }
0x27: {  	s1 =	sld [smem:$0x3FA0]  }
0x28: {  	s2 =	sld [smem:$0x3FA1]  }
0x29: {  	s4 =	sld [smem:$0x3FA3]  }
0x2a: {  	p0 =	seq.s32 s5, $0x0;
	s5 =	sld [smem:$0x3FA4]  }
0x2b: {  	s6 =	sld [smem:$0x3FA5]  }
0x2c: {  	s7 =	sld [smem:$0x3FA6]  }
0x2d: {  	s3 =	simm.s32 $0x108;
	s8 =	sld [smem:$0x3FA7]  }
0x2e: {  	s3 =	simm.s32 @!p0 $0x1082;
	s9 =	sld [smem:$0x3FA8]  }
0x2f: {  	lr =	sadd.s32 s0, s3;
	s0 =	sld [smem:$0x3F9F]  }
0x30: {  	s3 =	sld [smem:$0x3FA2]  }
0x31: {  	[smem:$0x3FAB] =	sst s10  }
0x32: {  	s10 =	sld [smem:$0x3FA9];
	_ =	sdelay $0x3  }
0x33: {  	p0 =	seq.s32 s10, $0x1;
	s10 =	sld [smem:$0x3FAB];
	_ =	sdelay $0x3  }
0x34: {  	[smem:$0x3FAB] =	sst s10  }
0x35: {  	s10 =	sld [smem:$0x3FAA];
	_ =	sdelay $0x3  }
0x36: {  	p1 =	seq.s32 s10, $0x1;
	s10 =	sld [smem:$0x3FAB];
	_ =	sdelay $0x3  }
0x37: {  	[smem:$0x3FAB] =	sst s10  }
0x38: {  	s10 =	sld [smem:$0x3FAC]  }
0x39: {  	_ = 	snop;
	(pc) =	sbr.ind lr, $3  }
0x3a: {  	_ = 	snop  }
0x3b: {  	_ = 	snop  }
0x3c: {  	p2 =	seq.s32 s10, $0x1;
	s10 =	sld [smem:$0x3FAB]  }
0x3d: {  	_ =	shalt  }
0x3e: {  	_ =	shalt  }
0x3f: {  	_ =	shalt  }
0x40: {  	_ =	shalt  }
0x41: {  	_ =	shalt  }
0x42: {  	_ =	shalt  }
0x43: {  	_ =	shalt  }
0x44: {  	_ =	shalt  }
0x45: {  	_ =	shalt  }
0x46: {  	_ =	shalt  }
0x47: {  	_ =	shalt  }
0x48: {  	_ =	shalt  }
0x49: {  	_ =	shalt  }
0x4a: {  	_ =	shalt  }
0x4b: {  	_ =	shalt  }
0x4c: {  	_ =	shalt  }
0x4d: {  	_ =	shalt  }
0x4e: {  	_ =	shalt  }
0x4f: {  	_ =	shalt  }
0x50: {  	_ =	shalt  }
0x51: {  	_ =	shalt  }
0x52: {  	_ =	shalt  }
0x53: {  	_ =	shalt  }
0x54: {  	_ =	shalt  }
0x55: {  	_ =	shalt  }
0x56: {  	_ =	shalt  }
0x57: {  	_ =	shalt  }
0x58: {  	_ =	shalt  }
0x59: {  	_ =	shalt  }
0x5a: {  	_ =	shalt  }
0x5b: {  	_ =	shalt  }
0x5c: {  	_ =	shalt  }
0x5d: {  	_ =	shalt  }
0x5e: {  	_ =	shalt  }
0x5f: {  	_ =	shalt  }
0x60: {  	_ =	shalt  }
0x61: {  	_ =	shalt  }
0x62: {  	_ =	shalt  }
0x63: {  	_ =	shalt  }
0x64: {  	_ =	shalt  }
0x65: {  	_ =	shalt  }
0x66: {  	_ =	shalt  }
0x67: {  	_ =	shalt  }
0x68: {  	_ =	shalt  }
0x69: {  	_ =	shalt  }
0x6a: {  	_ =	shalt  }
0x6b: {  	_ =	shalt  }
0x6c: {  	_ =	shalt  }
0x6d: {  	_ =	shalt  }
0x6e: {  	_ =	shalt  }
0x6f: {  	_ =	shalt  }
0x70: {  	_ =	shalt  }
0x71: {  	_ =	shalt  }
0x72: {  	_ =	shalt  }
0x73: {  	_ =	shalt  }
0x74: {  	_ =	shalt  }
0x75: {  	_ =	shalt  }
0x76: {  	_ =	shalt  }
0x77: {  	_ =	shalt  }
0x78: {  	_ =	shalt  }
0x79: {  	_ =	shalt  }
0x7a: {  	_ =	shalt  }
0x7b: {  	_ =	shalt  }
0x7c: {  	_ =	shalt  }
0x7d: {  	_ =	shalt  }
0x7e: {  	_ =	shalt  }
0x7f: {  	_ =	shalt  }
0x80: {  	_ =	shalt  }
0x81: {  	_ =	shalt  }
0x82: {  	_ =	shalt  }
0x83: {  	_ =	shalt  }
0x84: {  	_ =	shalt  }
0x85: {  	_ =	shalt  }
0x86: {  	_ =	shalt  }
0x87: {  	_ =	shalt  }
.Lfunc_end0:
.L_simem_size_0:
called_computation_lowered:
.L_overlay_start_0:
0x88: {  	s2 =	sld [smem:$0x3FD9]  }
0x89: {  	s3 =	sld [smem:$0x3FFE];
	_ =	sdelay $0x1  }
0x8a: {  	s1 =	srdreg.scid  }
0x8b: {  	s0 =	sand.u32 $0x1, s1  }
0x8c: {  	s14 =	sshll.u32 s0, $0xA;
	s2 =	sadd.s32 s3, s2  }
0x8d: {  	s2 =	sadd.s32 s2, s14  }
0x8e: {  	[smem:$0x3FB7] =	sst s2  }
0x8f: {  	_ = 	snop  }
0x90: {  	s2 =	sld [smem:$0x3FD0];
	_ =	sdelay $0x1  }
0x91: {  	s15 =	sld [smem:$0x3FBA]  }
0x92: {  	s5 =	simm.s32 $0xB;
	s6 =	simm.s32 $0x10;
	s4 =	sld [smem:$0x3FB9]  }
0x93: {  	[smem:s6], [sflag:s5] =	dma.local [hbm:s2], $0x1  }
0x94: {  	_ =	swait.eq [sflag:s5], $0x1  }
0x95: {  	[sflag:s5] =	ssyncset.done $0x0  }
0x96: {  	[sflag:s5] =	ssyncadd.s32 $0xFFFFFFFF  }
0x97: {  	s16 =	sld [smem:$0x10];
	(tm) =	ssettm $0x1  }
0x98: {  	s17 =	sld [smem:$0x3FFB];
	_ =	sdelay $0x3  }
0x99: {  	_ =	strace s17  }
0x9a: {  	s5 =	sld [smem:$0x3FFC];
	_ =	sdelay $0x3  }
0x9b: {  	_ =	strace s5  }
0x9c: {  	s5 =	sld [smem:$0x3FFD];
	_ =	sdelay $0x3  }
0x9d: {  	_ =	strace s5  }
0x9e: {  	_ =	strace $0x8FFFFFFF  }
0x9f: {  	s18 =	sld [smem:$0x3FDB];
	_ =	sdelay $0x1  }
0xa0: {  	s19 =	simm.s32 $_scs_section_size  }
0xa1: {  	s7 =	simm.s32 $_size__tile_overlayer_lowered;
	s8 =	simm.s32 $_tile_overlayer_lowered  }
0xa2: {  	s22 =	simm.s32 $0x1BFF;
	s21 =	sshll.u32 s8, $0x1;
	s5 =	sadd.s32 s19, s18  }
0xa3: {  	s9 =	simm.s32 $0x0;
	s20 =	sshll.u32 s7, $0x1;
	s7 =	sadd.s32 s21, s5  }
0xa4: {  	[timem:s9], [sflag:s22] =	dma.local [hbm:s7], s20  }
0xa5: {  	_ =	swait.ge [sflag:s22], s20  }
0xa6: {  	s6 =	ssub.s32 $0x0, s20;
	[sflag:s22] =	ssyncset.done $0x0  }
0xa7: {  	[sflag:s22] =	ssyncadd.s32 s6;
	_ =	sdelay $0x1  }
0xa8: {  	s23 =	simm.s32 $0x1B8B  }
0xa9: {  	_ =	swait.ge [sflag:s23], $0x1  }
0xaa: {  	[sflag:s23] =	ssyncset.done $0x0  }
0xab: {  	s25 =	simm.s32 $0x1B8E;
	s24 =	sld [smem:$0x3FFE];
	[sflag:s23] =	ssyncadd.s32 $0xFFFFFFFF  }
0xac: {  	s26 =	simm.s32 $execute0_lowered;
	[smem:$0x3FD2] =	sst s25  }
0xad: {  	s7 =	sshll.u32 s26, $0x1;
	_ =	strace $0x80000046;
	[dreg:$0x1] =	wrdreg $0xFFFFFFFF  }
0xae: {  	s28 =	simm.s32 $_size_execute0_lowered;
	s5 =	sadd.s32 s5, s7;
	[dreg:$0x0] =	wrdreg $0x0  }
0xaf: {  	s7 =	sshll.u32 s28, $0x1;
	[dreg:$0x2] =	wrdreg s5  }
0xb0: {  	[dreg:$0x3] =	wrdreg s7  }
0xb1: {  	[dreg:$0x4] =	wrdreg $0xC0  }
0xb2: {  	_ =	task [dreg:s9], $0x5FFFF  }
0xb3: {  	[dreg:$0x1] =	wrdreg $0xFFFFFFFF  }
0xb4: {  	[dreg:$0x0] =	wrdreg $0x60  }
0xb5: {  	[dreg:$0x2] =	wrdreg s24  }
0xb6: {  	[dreg:$0x3] =	wrdreg s4  }
0xb7: {  	[dreg:$0x4] =	wrdreg s15  }
0xb8: {  	[dreg:$0x5] =	wrdreg s16  }
0xb9: {  	[dreg:$0x6] =	wrdreg $0x9  }
0xba: {  	_ =	task.clear_ibuf [dreg:s9], $0x7FFFF;
	_ =	strace $0x90000046  }
0xbb: {  	s29 =	simm.s32 $0x9;
	_ =	strace $0x80000048  }
0xbc: {  	_ =	swait.ge [sflag:s29], $0x1  }
0xbd: {  	[sflag:s29] =	ssyncadd.s32 $0xFFFFFFFF  }
0xbe: {  	_ =	strace $0x90000048  }
0xbf: {  	_ =	sfence  }
0xc0: {  	s30 =	sld [smem:$0x0];
	_ =	sdelay $0x2  }
0xc1: {  	s31 =	sshll.u32 s1, $0xD;
	s1 =	sshrl.u32 s1, $0x2  }
0xc2: {  	s3 =	sand.u32 $0x4000, s31;
	s1 =	sadd.s32 s1, s30  }
0xc3: {  	s0 =	sor.u32 s3, s0;
	s1 =	sshll.u32 s1, $0x11  }
0xc4: {  	s0 =	sor.u32 s1, s0  }
0xc5: {  	s0 =	sadd.s32 $0x8F2B, s0  }
0xc6: {  	[sflag:s0] =	ssyncadd.remote.s32 $0x1  }
0xc7: {  	_ =	sfence.sel $0xFFFF  }
0xc8: {  	[dreg:$0x0] =	wrdreg $0xFFFFFFFF;
	(pc) =	sbr.abs _section_cstart, $3  }
0xc9: {  	[dreg:$0x1] =	wrdreg $0xFFFFFFFF  }
0xca: {  	_ =	task.clear_ibuf [dreg:s9], $0x2FFFF;
	_ =	strace $0x9FFFFFFF  }
0xcb: {  	(tm) =	ssettm $0x7FFFFFFF  }
tec
execute0_lowered:
.L_overlay_start_1:
0x0: {  	(tag) =	ssettag $0x1  }
0x1: {  	s5 =	rddreg [dreg:$0x0];
	s2 =	srdreg.scid  }
0x2: {  	s1 =	rddreg [dreg:$0x1];
	s0 =	stileid.u32;
	s2 =	sand.u32 $0x1, s2  }
0x3: {  	s3 =	rddreg [dreg:$0x2];
	s4 =	sshll.u32 s0, $0x8;
	s6 =	sshll.u32 s2, $0x7  }
0x4: {  	s7 =	rddreg [dreg:$0x3];
	s6 =	sor.u32 s6, s4;
	s4 =	simm.s32 $0x0  }
0x5: {  	s14 =	simm.s32 $0x880;
	[smem:$0x7FF] =	sst s4  }
0x6: {  	s15 =	simm.s32 $0x1080;
	_ =	strace $0x80000047;
	[dreg:$0xa] =	wrdreg s14  }
0x7: {  	s16 =	simm.s32 $0x1880;
	[dreg:$0xb] =	wrdreg s15  }
0x8: {  	s17 =	simm.s32 $0x2080;
	[dreg:$0xc] =	wrdreg s16  }
0x9: {  	s18 =	simm.s32 $0x2880;
	[dreg:$0xd] =	wrdreg s17  }
0xa: {  	s19 =	simm.s32 $0x3080;
	[dreg:$0xe] =	wrdreg s18  }
0xb: {  	s20 =	simm.s32 $0x3880;
	[dreg:$0xf] =	wrdreg s19  }
0xc: {  	s21 =	simm.s32 $0x4080;
	[dreg:$0x10] =	wrdreg s20  }
0xd: {  	s22 =	simm.s32 $0x4880;
	[dreg:$0x11] =	wrdreg s21  }
0xe: {  	s23 =	simm.s32 $0x5080;
	[dreg:$0x12] =	wrdreg s22  }
0xf: {  	s24 =	simm.s32 $0x5880;
	s25 =	simm.s32 $0x6080;
	[dreg:$0x13] =	wrdreg s23  }
0x10: {  	s26 =	simm.s32 $0x6880;
	s28 =	simm.s32 $0x3;
	[dreg:$0x14] =	wrdreg s24  }
0x11: {  	s29 =	simm.s32 $0x2;
	s30 =	simm.s32 $0x4;
	[dreg:$0x15] =	wrdreg s25  }
0x12: {  	s31 =	simm.s32 $0x5;
	s0 =	simm.s32 $0x7080;
	[dreg:$0x16] =	wrdreg s26  }
0x13: {  	s2 =	ssub.s32 $0x2, s2;
	[dreg:$0x17] =	wrdreg s0;
	s14 =	simm.s32 $0xB880  }
0x14: {  	s8 =	sshrl.u32 s6, $0x3;
	s15 =	simm.s32 $0xC880;
	[smem:$0x7F2] =	sst s14  }
0x15: {  	s6 =	sshll.u32 s6, $0x4;
	s16 =	simm.s32 $0xD080;
	[smem:$0x7F3] =	sst s15  }
0x16: {  	s9 =	sadd.s32 s8, s5;
	s18 =	simm.s32 $0xD880;
	[smem:$0x7F4] =	sst s16  }
0x17: {  	s10 =	smul.u32 $0x300, s8;
	s19 =	simm.s32 $0xE080;
	[smem:$0x7F5] =	sst s18  }
0x18: {  	s5 =	sadd.s32 $0x36000, s5;
	s20 =	simm.s32 $0xE880;
	[smem:$0x7F6] =	sst s19  }
0x19: {  	s8 =	sor.u32 $0x8, s8;
	s21 =	simm.s32 $0xF080;
	[smem:$0x7F7] =	sst s20  }
0x1a: {  	s17 =	sshrl.u32 s2, $0x1;
	s22 =	simm.s32 $0xF880;
	[smem:$0x7F8] =	sst s21  }
0x1b: {  	s23 =	simm.s32 $0x10080;
	s24 =	simm.s32 $0x10880;
	[smem:$0x7F9] =	sst s22  }
0x1c: {  	s25 =	simm.s32 $0x11080;
	s26 =	simm.s32 $0x11880;
	[smem:$0x7FA] =	sst s23  }
0x1d: {  	s9 =	sadd.s32 $0x25E00, s9;
	s11 =	smul.u32 $0x300, s8;
	[smem:$0x7FB] =	sst s24  }
0x1e: {  	s6 =	sadd.s32 s5, s6;
	s13 =	sshll.u32 s8, $0x7;
	[smem:$0x7FC] =	sst s25  }
0x1f: {  	s8 =	simm.s32 $0x8880;
	s2 =	ssub.s32 s2, s17;
	[smem:$0x7FD] =	sst s26  }
0x20: {  	s14 =	simm.s32 $0x12880;
	s15 =	simm.s32 $0x13080;
	s16 =	simm.s32 $0x13880  }
0x21: {  	s17 =	simm.s32 $0x14080;
	s18 =	simm.s32 $0x14880;
	[dreg:$0x5] =	wrdreg s9  }
0x22: {  	s19 =	simm.s32 $0x15080;
	s20 =	simm.s32 $0x15880;
	[dreg:$0x7] =	wrdreg s6  }
0x23: {  	s21 =	simm.s32 $0x16080;
	s10 =	sadd.s32 s7, s10;
	[dreg:$0x1a] =	wrdreg s8  }
0x24: {  	s22 =	simm.s32 $0x16880;
	s5 =	sadd.s32 s5, s13;
	[dreg:$0x6] =	wrdreg s10  }
0x25: {  	s23 =	simm.s32 $0x17080;
	s6 =	simm.s32 $0x7880;
	[dreg:$0x9] =	wrdreg s5  }
0x26: {  	s24 =	simm.s32 $0x17880;
	s9 =	simm.s32 $0x9080;
	[dreg:$0x18] =	wrdreg s6  }
0x27: {  	s25 =	simm.s32 $0x1A080;
	s13 =	simm.s32 $0xB080;
	[dreg:$0x1b] =	wrdreg s9  }
0x28: {  	s26 =	simm.s32 $0x1;
	s12 =	sadd.s32 s7, s11;
	[dreg:$0x1f] =	wrdreg s13  }
0x29: {  	s8 =	simm.s32 $0x7;
	s7 =	simm.s32 $0x8080;
	[dreg:$0x8] =	wrdreg s12  }
0x2a: {  	s10 =	simm.s32 $0x9880;
	s11 =	simm.s32 $0xA080;
	[dreg:$0x19] =	wrdreg s7  }
0x2b: {  	s5 =	sadd.s32 $0x100, s1;
	s6 =	sadd.s32 $0x200, s1;
	[dreg:$0x1c] =	wrdreg s10  }
0x2c: {  	v2 =	vlaneseq.u32;
	s9 =	simm.s32 $0x80;
	[dreg:$0x1d] =	wrdreg s11;
	s12 =	simm.s32 $0xA880  }
0x2d: {  	vm0 =	vmmov $0xffff;
	v1 =	vshrl.u32 v2, $0x3;
	s7 =	smax.u32 s2, $0x1;
	s10 =	simm.s32 $0x40;
	s11 =	simm.s32 $0x18080  }
0x2e: {  	v0 =	vand.u32 $0x7, v2;
	v2 =	vor.u32 $0x8, v2;
	v1 =	vmul.u32 $0x8, v1;
	s2 =	simm.s32 $0x6;
	[dreg:$0x1e] =	wrdreg s12;
	s12 =	simm.s32 $0xC080  }
.LBB2_1:
0x2f: {  	s0 =	rddreg [dreg:$0x5]  }
0x30: {  	[tilespmem:s4], [sflag:$0x7] =	stream.linear.gather [hbm4b:s0+s4], $0x80, $0x38;
	[tilespmem:$0x1C080] =	vst v63  }
0x31: {  	_ =	swait.ge [sflag:s8], $0x80  }
0x32: {  	[sflag:s8] =	ssyncset.done $0x0  }
0x33: {  	[sflag:s8] =	ssyncadd.s32 $0xFFFFFF80  }
0x34: {  	v3 =	vld [tilespmem:$0x0];
	_ =	sdelay $0x4  }
0x35: {  	v4 =	vshrl.u32 v3, $0x3  }
0x36: {  	v4 =	vmul.u32 $0x30, v4  }
0x37: {  	v3 =	vand.u32 $0x7, v3  }
0x38: {  	v3 =	vor.u32 v3, v4  }
0x39: {  	v4 =	vperm.xlane v3, v0;
	_ =	sdelay $0x1  }
0x3a: {  	v4 =	vadd.s32 v1, v4;
	_ =	sdelay $0x3  }
0x3b: {  	v3 =	vperm.xlane v3, v2  }
0x3c: {  	[tilespmem:s9], [sflag:$0x1] =	stream.indirect_vreg.gather [hbm4b:s1+s4], $0x80, v4, vm0, $0xb8;
	[tilespmem:$0x1C080] =	vst v63  }
0x3d: {  	s0 =	rddreg [dreg:$0xa];
	v3 =	vadd.s32 v1, v3  }
0x3e: {  	[tilespmem:s0], [sflag:$0x1] =	stream.indirect_vreg.gather [hbm4b:s5+s4], $0x80, v4, vm0, $0xb8;
	[tilespmem:$0x1C080] =	vst v63  }
0x3f: {  	s13 =	rddreg [dreg:$0xb]  }
0x40: {  	[tilespmem:s13], [sflag:$0x1] =	stream.indirect_vreg.gather [hbm4b:s6+s4], $0x80, v4, vm0, $0xb8;
	[tilespmem:$0x1C080] =	vst v63  }
0x41: {  	s0 =	rddreg [dreg:$0xc]  }
0x42: {  	[tilespmem:s0], [sflag:$0x1] =	stream.indirect_vreg.gather [hbm4b:s1+s4], $0x80, v3, vm0, $0xb8;
	[tilespmem:$0x1C080] =	vst v63  }
0x43: {  	s13 =	rddreg [dreg:$0xd]  }
0x44: {  	[tilespmem:s13], [sflag:$0x1] =	stream.indirect_vreg.gather [hbm4b:s5+s4], $0x80, v3, vm0, $0xb8;
	[tilespmem:$0x1C080] =	vst v63  }
0x45: {  	s0 =	rddreg [dreg:$0xe]  }
0x46: {  	[tilespmem:s0], [sflag:$0x1] =	stream.indirect_vreg.gather [hbm4b:s6+s4], $0x80, v3, vm0, $0xb8;
	[tilespmem:$0x1C080] =	vst v63  }
0x47: {  	v3 =	vld [tilespmem:$0x10];
	_ =	sdelay $0x4  }
0x48: {  	v57 =	vshrl.u32 v3, $0x3  }
0x49: {  	v4 =	vmul.u32 $0x30, v57  }
0x4a: {  	v3 =	vand.u32 $0x7, v3  }
0x4b: {  	v3 =	vor.u32 v3, v4  }
0x4c: {  	v4 =	vperm.xlane v3, v0;
	_ =	sdelay $0x1  }
0x4d: {  	v4 =	vadd.s32 v1, v4;
	_ =	sdelay $0x3  }
0x4e: {  	s0 =	rddreg [dreg:$0xf];
	v3 =	vperm.xlane v3, v2  }
0x4f: {  	[tilespmem:s0], [sflag:$0x1] =	stream.indirect_vreg.gather [hbm4b:s1+s4], $0x80, v4, vm0, $0xb8;
	[tilespmem:$0x1C080] =	vst v63  }
0x50: {  	s13 =	rddreg [dreg:$0x10];
	v3 =	vadd.s32 v1, v3  }
0x51: {  	[tilespmem:s13], [sflag:$0x1] =	stream.indirect_vreg.gather [hbm4b:s5+s4], $0x80, v4, vm0, $0xb8;
	[tilespmem:$0x1C080] =	vst v63  }
0x52: {  	s0 =	rddreg [dreg:$0x11]  }
0x53: {  	[tilespmem:s0], [sflag:$0x1] =	stream.indirect_vreg.gather [hbm4b:s6+s4], $0x80, v4, vm0, $0xb8;
	[tilespmem:$0x1C080] =	vst v63  }
0x54: {  	s13 =	rddreg [dreg:$0x12]  }
0x55: {  	[tilespmem:s13], [sflag:$0x1] =	stream.indirect_vreg.gather [hbm4b:s1+s4], $0x80, v3, vm0, $0xb8;
	[tilespmem:$0x1C080] =	vst v63  }
0x56: {  	s0 =	rddreg [dreg:$0x13]  }
0x57: {  	[tilespmem:s0], [sflag:$0x1] =	stream.indirect_vreg.gather [hbm4b:s5+s4], $0x80, v3, vm0, $0xb8;
	[tilespmem:$0x1C080] =	vst v63  }
0x58: {  	s13 =	rddreg [dreg:$0x14]  }
0x59: {  	[tilespmem:s13], [sflag:$0x1] =	stream.indirect_vreg.gather [hbm4b:s6+s4], $0x80, v3, vm0, $0xb8;
	[tilespmem:$0x1C080] =	vst v63  }
0x5a: {  	v3 =	vld [tilespmem:$0x20];
	_ =	sdelay $0x4  }
0x5b: {  	v58 =	vshrl.u32 v3, $0x3  }
0x5c: {  	v4 =	vmul.u32 $0x30, v58  }
0x5d: {  	v3 =	vand.u32 $0x7, v3  }
0x5e: {  	v3 =	vor.u32 v3, v4  }
0x5f: {  	v4 =	vperm.xlane v3, v0;
	_ =	sdelay $0x1  }
0x60: {  	v4 =	vadd.s32 v1, v4;
	_ =	sdelay $0x3  }
0x61: {  	s0 =	rddreg [dreg:$0x15];
	v3 =	vperm.xlane v3, v2  }
0x62: {  	[tilespmem:s0], [sflag:$0x1] =	stream.indirect_vreg.gather [hbm4b:s1+s4], $0x80, v4, vm0, $0xb8;
	[tilespmem:$0x1C080] =	vst v63  }
0x63: {  	s13 =	rddreg [dreg:$0x16];
	v3 =	vadd.s32 v1, v3  }
0x64: {  	[tilespmem:s13], [sflag:$0x1] =	stream.indirect_vreg.gather [hbm4b:s5+s4], $0x80, v4, vm0, $0xb8;
	[tilespmem:$0x1C080] =	vst v63  }
0x65: {  	s0 =	rddreg [dreg:$0x17]  }
0x66: {  	[tilespmem:s0], [sflag:$0x1] =	stream.indirect_vreg.gather [hbm4b:s6+s4], $0x80, v4, vm0, $0xb8;
	[tilespmem:$0x1C080] =	vst v63  }
0x67: {  	s13 =	rddreg [dreg:$0x18]  }
0x68: {  	[tilespmem:s13], [sflag:$0x1] =	stream.indirect_vreg.gather [hbm4b:s1+s4], $0x80, v3, vm0, $0xb8;
	[tilespmem:$0x1C080] =	vst v63  }
0x69: {  	s0 =	rddreg [dreg:$0x19]  }
0x6a: {  	[tilespmem:s0], [sflag:$0x1] =	stream.indirect_vreg.gather [hbm4b:s5+s4], $0x80, v3, vm0, $0xb8;
	[tilespmem:$0x1C080] =	vst v63  }
0x6b: {  	s13 =	rddreg [dreg:$0x1a]  }
0x6c: {  	[tilespmem:s13], [sflag:$0x1] =	stream.indirect_vreg.gather [hbm4b:s6+s4], $0x80, v3, vm0, $0xb8;
	[tilespmem:$0x1C080] =	vst v63  }
0x6d: {  	v3 =	vld [tilespmem:$0x30];
	_ =	sdelay $0x4  }
0x6e: {  	v59 =	vshrl.u32 v3, $0x3  }
0x6f: {  	v4 =	vmul.u32 $0x30, v59  }
0x70: {  	v3 =	vand.u32 $0x7, v3  }
0x71: {  	v3 =	vor.u32 v3, v4  }
0x72: {  	v4 =	vperm.xlane v3, v0;
	_ =	sdelay $0x1  }
0x73: {  	v4 =	vadd.s32 v1, v4;
	_ =	sdelay $0x2  }
0x74: {  	s0 =	rddreg [dreg:$0x1b]  }
0x75: {  	s13 =	rddreg [dreg:$0x1c];
	v3 =	vperm.xlane v3, v2  }
0x76: {  	[tilespmem:s0], [sflag:$0x1] =	stream.indirect_vreg.gather [hbm4b:s1+s4], $0x80, v4, vm0, $0xb8;
	[tilespmem:$0x1C080] =	vst v63  }
0x77: {  	v3 =	vadd.s32 v1, v3;
	s0 =	rddreg [dreg:$0x1d]  }
0x78: {  	[tilespmem:s13], [sflag:$0x1] =	stream.indirect_vreg.gather [hbm4b:s5+s4], $0x80, v4, vm0, $0xb8;
	[tilespmem:$0x1C080] =	vst v63  }
0x79: {  	s13 =	rddreg [dreg:$0x1e]  }
0x7a: {  	[tilespmem:s0], [sflag:$0x1] =	stream.indirect_vreg.gather [hbm4b:s6+s4], $0x80, v4, vm0, $0xb8;
	[tilespmem:$0x1C080] =	vst v63  }
0x7b: {  	s0 =	rddreg [dreg:$0x1f]  }
0x7c: {  	[tilespmem:s13], [sflag:$0x1] =	stream.indirect_vreg.gather [hbm4b:s1+s4], $0x80, v3, vm0, $0xb8;
	[tilespmem:$0x1C080] =	vst v63  }
0x7d: {  	s13 =	sld [smem:$0x7F2]  }
0x7e: {  	[tilespmem:s0], [sflag:$0x1] =	stream.indirect_vreg.gather [hbm4b:s5+s4], $0x80, v3, vm0, $0xb8;
	[tilespmem:$0x1C080] =	vst v63  }
0x7f: {  	_ = 	snop  }
0x80: {  	[tilespmem:s13], [sflag:$0x1] =	stream.indirect_vreg.gather [hbm4b:s6+s4], $0x80, v3, vm0, $0xb8;
	[tilespmem:$0x1C080] =	vst v63  }
0x81: {  	_ = 	snop  }
0x82: {  	[tilespmem:s11], [sflag:$0x3] =	stream.indirect.gather [hbm4b:s3+s10], $0x80, s4, s10, $0xb8;
	[tilespmem:$0x1C080] =	vst v63  }
0x83: {  	v3 =	vld [tilespmem:$0x40];
	_ =	sdelay $0x4  }
0x84: {  	v60 =	vshrl.u32 v3, $0x3  }
0x85: {  	v4 =	vmul.u32 $0x30, v60  }
0x86: {  	v3 =	vand.u32 $0x7, v3  }
0x87: {  	v3 =	vor.u32 v3, v4  }
0x88: {  	v4 =	vperm.xlane v3, v0;
	_ =	sdelay $0x1  }
0x89: {  	v4 =	vadd.s32 v1, v4;
	_ =	sdelay $0x3  }
0x8a: {  	s0 =	sld [smem:$0x7F3];
	v3 =	vperm.xlane v3, v2  }
0x8b: {  	[tilespmem:s12], [sflag:$0x2] =	stream.indirect_vreg.gather [hbm4b:s1+s4], $0x80, v4, vm0, $0xb8;
	[tilespmem:$0x1C080] =	vst v63  }
0x8c: {  	s13 =	sld [smem:$0x7F4];
	v3 =	vadd.s32 v1, v3  }
0x8d: {  	[tilespmem:s0], [sflag:$0x2] =	stream.indirect_vreg.gather [hbm4b:s5+s4], $0x80, v4, vm0, $0xb8;
	[tilespmem:$0x1C080] =	vst v63  }
0x8e: {  	s0 =	sld [smem:$0x7F5]  }
0x8f: {  	[tilespmem:s13], [sflag:$0x2] =	stream.indirect_vreg.gather [hbm4b:s6+s4], $0x80, v4, vm0, $0xb8;
	[tilespmem:$0x1C080] =	vst v63  }
0x90: {  	s13 =	sld [smem:$0x7F6]  }
0x91: {  	[tilespmem:s0], [sflag:$0x2] =	stream.indirect_vreg.gather [hbm4b:s1+s4], $0x80, v3, vm0, $0xb8;
	[tilespmem:$0x1C080] =	vst v63  }
0x92: {  	s0 =	sld [smem:$0x7F7]  }
0x93: {  	[tilespmem:s13], [sflag:$0x2] =	stream.indirect_vreg.gather [hbm4b:s5+s4], $0x80, v3, vm0, $0xb8;
	[tilespmem:$0x1C080] =	vst v63  }
0x94: {  	_ = 	snop  }
0x95: {  	[tilespmem:s0], [sflag:$0x2] =	stream.indirect_vreg.gather [hbm4b:s6+s4], $0x80, v3, vm0, $0xb8;
	[tilespmem:$0x1C080] =	vst v63  }
0x96: {  	v3 =	vld [tilespmem:$0x50];
	_ =	sdelay $0x4  }
0x97: {  	v61 =	vshrl.u32 v3, $0x3  }
0x98: {  	v4 =	vmul.u32 $0x30, v61  }
0x99: {  	v3 =	vand.u32 $0x7, v3  }
0x9a: {  	v3 =	vor.u32 v3, v4  }
0x9b: {  	v4 =	vperm.xlane v3, v0;
	_ =	sdelay $0x1  }
0x9c: {  	v4 =	vadd.s32 v1, v4;
	_ =	sdelay $0x1  }
0x9d: {  	s0 =	sld [smem:$0x7F8];
	_ =	sdelay $0x1  }
0x9e: {  	s13 =	sld [smem:$0x7F9];
	v3 =	vperm.xlane v3, v2  }
0x9f: {  	[tilespmem:s0], [sflag:$0x2] =	stream.indirect_vreg.gather [hbm4b:s1+s4], $0x80, v4, vm0, $0xb8;
	[tilespmem:$0x1C080] =	vst v63  }
0xa0: {  	v3 =	vadd.s32 v1, v3;
	s0 =	sld [smem:$0x7FA]  }
0xa1: {  	[tilespmem:s13], [sflag:$0x2] =	stream.indirect_vreg.gather [hbm4b:s5+s4], $0x80, v4, vm0, $0xb8;
	[tilespmem:$0x1C080] =	vst v63  }
0xa2: {  	s13 =	sld [smem:$0x7FB]  }
0xa3: {  	[tilespmem:s0], [sflag:$0x2] =	stream.indirect_vreg.gather [hbm4b:s6+s4], $0x80, v4, vm0, $0xb8;
	[tilespmem:$0x1C080] =	vst v63  }
0xa4: {  	s0 =	sld [smem:$0x7FC]  }
0xa5: {  	[tilespmem:s13], [sflag:$0x2] =	stream.indirect_vreg.gather [hbm4b:s1+s4], $0x80, v3, vm0, $0xb8;
	[tilespmem:$0x1C080] =	vst v63  }
0xa6: {  	s13 =	sld [smem:$0x7FD]  }
0xa7: {  	[tilespmem:s0], [sflag:$0x2] =	stream.indirect_vreg.gather [hbm4b:s5+s4], $0x80, v3, vm0, $0xb8;
	[tilespmem:$0x1C080] =	vst v63  }
0xa8: {  	_ = 	snop  }
0xa9: {  	[tilespmem:s13], [sflag:$0x2] =	stream.indirect_vreg.gather [hbm4b:s6+s4], $0x80, v3, vm0, $0xb8;
	[tilespmem:$0x1C080] =	vst v63  }
0xaa: {  	v3 =	vld [tilespmem:$0x60];
	_ =	sdelay $0x4  }
0xab: {  	v62 =	vshrl.u32 v3, $0x3  }
0xac: {  	v4 =	vmul.u32 $0x30, v62  }
0xad: {  	v3 =	vand.u32 $0x7, v3  }
0xae: {  	v3 =	vor.u32 v3, v4  }
0xaf: {  	v4 =	vperm.xlane v3, v0;
	_ =	sdelay $0x1  }
0xb0: {  	v4 =	vadd.s32 v1, v4;
	_ =	sdelay $0x3  }
0xb1: {  	s13 =	simm.s32 $0x12080;
	v3 =	vperm.xlane v3, v2  }
0xb2: {  	[tilespmem:s13], [sflag:$0x2] =	stream.indirect_vreg.gather [hbm4b:s1+s4], $0x80, v4, vm0, $0xb8;
	[tilespmem:$0x1C080] =	vst v63  }
0xb3: {  	v3 =	vadd.s32 v1, v3  }
0xb4: {  	[tilespmem:s14], [sflag:$0x2] =	stream.indirect_vreg.gather [hbm4b:s5+s4], $0x80, v4, vm0, $0xb8;
	[tilespmem:$0x1C080] =	vst v63  }
0xb5: {  	_ = 	snop  }
0xb6: {  	[tilespmem:s15], [sflag:$0x2] =	stream.indirect_vreg.gather [hbm4b:s6+s4], $0x80, v4, vm0, $0xb8;
	[tilespmem:$0x1C080] =	vst v63  }
0xb7: {  	_ = 	snop  }
0xb8: {  	[tilespmem:s16], [sflag:$0x2] =	stream.indirect_vreg.gather [hbm4b:s1+s4], $0x80, v3, vm0, $0xb8;
	[tilespmem:$0x1C080] =	vst v63  }
0xb9: {  	_ = 	snop  }
0xba: {  	[tilespmem:s17], [sflag:$0x2] =	stream.indirect_vreg.gather [hbm4b:s5+s4], $0x80, v3, vm0, $0xb8;
	[tilespmem:$0x1C080] =	vst v63  }
0xbb: {  	_ = 	snop  }
0xbc: {  	[tilespmem:s18], [sflag:$0x2] =	stream.indirect_vreg.gather [hbm4b:s6+s4], $0x80, v3, vm0, $0xb8;
	[tilespmem:$0x1C080] =	vst v63  }
0xbd: {  	v3 =	vld [tilespmem:$0x70];
	_ =	sdelay $0x4  }
0xbe: {  	v63 =	vshrl.u32 v3, $0x3  }
0xbf: {  	v4 =	vmul.u32 $0x30, v63  }
0xc0: {  	v3 =	vand.u32 $0x7, v3  }
0xc1: {  	v3 =	vor.u32 v3, v4  }
0xc2: {  	v4 =	vperm.xlane v3, v0;
	_ =	sdelay $0x1  }
0xc3: {  	v4 =	vadd.s32 v1, v4;
	_ =	sdelay $0x3  }
0xc4: {  	v3 =	vperm.xlane v3, v2  }
0xc5: {  	[tilespmem:s19], [sflag:$0x2] =	stream.indirect_vreg.gather [hbm4b:s1+s4], $0x80, v4, vm0, $0xb8;
	[tilespmem:$0x1C080] =	vst v63  }
0xc6: {  	v3 =	vadd.s32 v1, v3  }
0xc7: {  	[tilespmem:s20], [sflag:$0x2] =	stream.indirect_vreg.gather [hbm4b:s5+s4], $0x80, v4, vm0, $0xb8;
	[tilespmem:$0x1C080] =	vst v63  }
0xc8: {  	_ = 	snop  }
0xc9: {  	[tilespmem:s21], [sflag:$0x2] =	stream.indirect_vreg.gather [hbm4b:s6+s4], $0x80, v4, vm0, $0xb8;
	[tilespmem:$0x1C080] =	vst v63  }
0xca: {  	_ = 	snop  }
0xcb: {  	[tilespmem:s22], [sflag:$0x2] =	stream.indirect_vreg.gather [hbm4b:s1+s4], $0x80, v3, vm0, $0xb8;
	[tilespmem:$0x1C080] =	vst v63  }
0xcc: {  	_ = 	snop  }
0xcd: {  	[tilespmem:s23], [sflag:$0x2] =	stream.indirect_vreg.gather [hbm4b:s5+s4], $0x80, v3, vm0, $0xb8;
	[tilespmem:$0x1C080] =	vst v63  }
0xce: {  	_ = 	snop  }
0xcf: {  	[tilespmem:s24], [sflag:$0x2] =	stream.indirect_vreg.gather [hbm4b:s6+s4], $0x80, v3, vm0, $0xb8;
	[tilespmem:$0x1C080] =	vst v63  }
0xd0: {  	_ = 	snop  }
0xd1: {  	[tilespmem:s25], [sflag:$0x4] =	stream.indirect.gather [hbm4b:s3+s10], $0x80, s10, s10, $0xb8;
	[tilespmem:$0x1C080] =	vst v63  }
0xd2: {  	_ =	swait.ge [sflag:s26], $0xC000  }
0xd3: {  	[sflag:s26] =	ssyncset.done $0x0  }
0xd4: {  	[sflag:s26] =	ssyncadd.s32 $0xFFFF4000  }
0xd5: {  	_ =	swait.ge [sflag:s28], $0x2000  }
0xd6: {  	[sflag:s28] =	ssyncset.done $0x0  }
0xd7: {  	s0 =	rddreg [dreg:$0x6];
	[sflag:s28] =	ssyncadd.s32 $0xFFFFE000  }
0xd8: {  	[hbm4b:s0+s4] =	stream.linear.scatter [tilespmem:s9], [sflag:$0x5], $0xC000, $0x38;
	[tilespmem:$0x1C080] =	vst v63  }
0xd9: {  	s13 =	rddreg [dreg:$0x7]  }
0xda: {  	[hbm4b:s13+s4] =	stream.linear.scatter [tilespmem:s11], [sflag:$0x5], $0x2000, $0x38;
	[tilespmem:$0x1C080] =	vst v63  }
0xdb: {  	_ =	swait.ge [sflag:s29], $0xC000  }
0xdc: {  	[sflag:s29] =	ssyncset.done $0x0  }
0xdd: {  	[sflag:s29] =	ssyncadd.s32 $0xFFFF4000  }
0xde: {  	_ =	swait.ge [sflag:s30], $0x2000  }
0xdf: {  	[sflag:s30] =	ssyncset.done $0x0  }
0xe0: {  	s0 =	rddreg [dreg:$0x8];
	[sflag:s30] =	ssyncadd.s32 $0xFFFFE000  }
0xe1: {  	[hbm4b:s0+s4] =	stream.linear.scatter [tilespmem:s12], [sflag:$0x6], $0xC000, $0x38;
	[tilespmem:$0x1C080] =	vst v63  }
0xe2: {  	s13 =	rddreg [dreg:$0x9]  }
0xe3: {  	[hbm4b:s13+s4] =	stream.linear.scatter [tilespmem:s25], [sflag:$0x6], $0x2000, $0x38;
	[tilespmem:$0x1C080] =	vst v63  }
0xe4: {  	_ =	swait.ge [sflag:s31], $0xC000  }
0xe5: {  	[sflag:s31] =	ssyncset.done $0x0  }
0xe6: {  	[sflag:s31] =	ssyncadd.s32 $0xFFFF4000  }
0xe7: {  	_ =	swait.ge [sflag:s31], $0x2000  }
0xe8: {  	[sflag:s31] =	ssyncset.done $0x0  }
0xe9: {  	[sflag:s31] =	ssyncadd.s32 $0xFFFFE000  }
0xea: {  	p0 =	sne.s32 s7, $0x1;
	_ =	swait.ge [sflag:s2], $0xC000  }
.Ltmp0:
0xeb: {  	[sflag:s2] =	ssyncset.done $0x0;
	(pc) =	sbr.rel @p0 .LBB2_1-.Ltmp0, $4  }
0xec: {  	[sflag:s2] =	ssyncadd.s32 $0xFFFF4000  }
0xed: {  	_ =	swait.ge [sflag:s2], $0x2000  }
0xee: {  	[sflag:s2] =	ssyncset.done $0x0  }
0xef: {  	s7 =	sadd.s32 $0xFFFFFFFF, s7;
	[sflag:s2] =	ssyncadd.s32 $0xFFFFE000  }
0xf0: {  	_ =	sfence.sel $0x180000  }
0xf1: {  	[bflag:$0x0] =	sbarrier.arrive $0xFFFF  }
0xf2: {  	_ =	strace $0x90000047  }
0xf3: {  	s0 =	stileid.u32;
	[bflag:$0x2] =	sbarrier.arrive $0xFFFF  }
0xf4: {  	p0 =	sne.s32 s0, $0x0;
	s0 =	rddreg [dreg:$0x4]  }
0xf5: {  	s0 =	sadd.s32 @!p0 $0x100000, s0  }
0xf6: {  	[sflag:s0] =	ssyncadd.tile.s32 @!p0 $0x1;
	_ =	shalt  }
.Lfunc_end2:
_tile_overlayer_lowered:
.L_overlay_start_2:
0xf7: {  	(tag) =	ssettag $0x2  }
0xf8: {  	s0 =	rddreg [dreg:$0x0];
	s2 =	stileid.u32  }
0xf9: {  	s1 =	rddreg [dreg:$0x1];
	p0 =	sne.s32 s2, $0x0  }
0xfa: {  	s3 =	rddreg [dreg:$0x2];
	[bflag:$0x3] =	sbarrier.arrive $0xFFFF;
	s2 =	simm.s32 @!p0 $0x1C07  }
0xfb: {  	[timem:s3], [sflag:s2] =	dma.local @!p0 [hbm:s0], s1  }
0xfc: {  	s0 =	simm.s32 @!p0 $0x7  }
0xfd: {  	_ =	swait.ge @!p0 [sflag:s0], s1  }
0xfe: {  	s1 =	ssub.s32 @!p0 $0x0, s1;
	[sflag:s0] =	ssyncset.done @!p0 $0x0  }
0xff: {  	[sflag:s0] =	ssyncadd.s32 @!p0 s1  }
0x100: {  	[bflag:$0x3] =	sbarrier.arrive $0xFFFF  }
0x101: {  	_ =	shalt  }

</sc_bundles>
